<compile_context>
chip_gen: v7x
topology: tpu7x:2x2x1
jax: 0.10.2.dev20260603
libtpu: 0.0.44.dev20260713+nightly
codegen_flags: <defaults>
</compile_context>

<pallas_src>
import functools

import jax
import jax.numpy as jnp
import numpy as np
from jax import lax
from jax.experimental import pallas as pl
from jax.experimental.pallas import tpu as pltpu
from jax.experimental.pallas import tpu_sc as plsc

N = 10000
D = 128
DH = D // 2
E = 320000

NC = 2
NS = 16

CHUNK = 128
CPT = 160
EPT = CPT * CHUNK
IDX_PAD = 8
IPC = NS * CPT + IDX_PAD
NBUF = 2

ACC_ROWS = 10112
RPT = ACC_ROWS // NS

_mesh = plsc.VectorSubcoreMesh(
    core_axis_name="c", subcore_axis_name="s", num_cores=NC, num_subcores=NS
)


@functools.partial(
    pl.kernel,
    out_type=jax.ShapeDtypeStruct((ACC_ROWS, D), jnp.float32),
    mesh=_mesh,
    scratch_types=[
        pltpu.VMEM((CPT + IDX_PAD, CHUNK), jnp.int32),
        pltpu.VMEM((CPT, CHUNK), jnp.int32),
        [pltpu.VMEM((CHUNK, DH), jnp.bfloat16) for _ in range(NBUF)],
        [pltpu.VMEM((CHUNK, DH), jnp.float32) for _ in range(NBUF)],
        pltpu.VMEM_SHARED((ACC_ROWS, DH), jnp.float32),
        [pltpu.SemaphoreType.DMA for _ in range(NBUF)],
        [pltpu.SemaphoreType.DMA for _ in range(NBUF)],
    ],
    compiler_params=pltpu.CompilerParams(use_tc_tiling_on_sc=False, needs_layout_passes=False),
)
def _sc_edge_accumulate(hs_hbm, src_hbm, dst_hbm, z_hbm, out_hbm,
                        src_v, dst_v, bufs, f32bufs, acc, gsems, ssems):
    c = lax.axis_index("c")
    s = lax.axis_index("s")

    pltpu.sync_copy(z_hbm, acc.at[pl.ds(s * RPT, RPT)])

    pltpu.sync_copy(src_hbm.at[pl.ds(c * IPC + s * CPT, CPT + IDX_PAD)], src_v)
    pltpu.sync_copy(dst_hbm.at[pl.ds(s * CPT, CPT)], dst_v)

    for b in range(NBUF):
        pltpu.async_copy(hs_hbm.at[src_v.at[b]], bufs[b], gsems[b])

    plsc.subcore_barrier()

    def step(j, b, wait_scatter):
        pltpu.make_async_copy(hs_hbm.at[src_v.at[j]], bufs[b], gsems[b]).wait()
        if wait_scatter:
            pltpu.make_async_copy(
                f32bufs[b], acc.at[dst_v.at[j]], ssems[b]).wait()

        def conv(r2, carry2, _b16=bufs[b], _f32=f32bufs[b]):
            parts = []
            for rr in range(2):
                for g in range(2):
                    parts.append((r2 * 2 + rr, g,
                                  _b16[r2 * 2 + rr, pl.ds(32 * g, 32)]))
            for r, g, ab in parts:
                lo, hi = plsc.unpack(
                    ab, format=plsc.PackFormat.INTERLEAVED,
                    preferred_element_type=jnp.float32)
                _f32[r, pl.ds(32 * g, 16)] = lo
                _f32[r, pl.ds(32 * g + 16, 16)] = hi
            return carry2

        lax.fori_loop(0, CHUNK // 2, conv, 0)
        pltpu.async_copy(hs_hbm.at[src_v.at[j + NBUF]], bufs[b], gsems[b])
        pltpu.async_copy(f32bufs[b], acc.at[dst_v.at[j]], ssems[b], add=True)

    for b in range(NBUF):
        step(b, b, False)

    def body(i, carry):
        for b in range(NBUF):
            step(NBUF * i + b, b, True)
        return carry

    lax.fori_loop(1, CPT // NBUF, body, 0)

    for b in range(NBUF):
        pltpu.make_async_copy(
            f32bufs[b], acc.at[dst_v.at[CPT - NBUF + b]], ssems[b]).wait()
        pltpu.make_async_copy(hs_hbm.at[src_v.at[CPT + b]], bufs[b], gsems[b]).wait()

    plsc.subcore_barrier()

    pltpu.sync_copy(acc.at[pl.ds(s * RPT, RPT)],
                    out_hbm.at[pl.ds(s * RPT, RPT), pl.ds(c * DH, DH)])


_BR = 2000
_NB = N // _BR


def _stats_body(eps_ref, h_ref, n_ref, pre_ref, sum_ref, ssq_ref):
    i = pl.program_id(0)
    pre = (1.0 + eps_ref[0]) * h_ref[...] + n_ref[...]
    pre_ref[...] = pre
    psum = jnp.sum(pre, axis=0, keepdims=True)
    pssq = jnp.sum(pre * pre, axis=0, keepdims=True)

    @pl.when(i == 0)
    def _():
        sum_ref[...] = psum
        ssq_ref[...] = pssq

    @pl.when(i > 0)
    def _():
        sum_ref[...] += psum
        ssq_ref[...] += pssq


def _apply_body(sum_ref, ssq_ref, gamma_ref, beta_ref, pre_ref, out_ref):
    mean = sum_ref[...] * (1.0 / N)
    var = ssq_ref[...] * (1.0 / N) - mean * mean
    inv = lax.rsqrt(var + 1e-5) * gamma_ref[...]
    out_ref[...] = jnp.maximum((pre_ref[...] - mean) * inv + beta_ref[...], 0.0)


_COLS = np.array(
    [c * 64 + 32 * g + k + 16 * p
     for c in (0, 1) for g in (0, 1) for k in range(16) for p in (0, 1)],
    dtype=np.int32)


def kernel(h, edge_index, eps, gamma, beta):
    ei = edge_index.astype(jnp.int32)
    hperm = h[:, _COLS].astype(jnp.bfloat16)
    hs = jnp.concatenate([hperm[:, :DH], hperm[:, DH:]], axis=0)

    pad_idx = IPC * CHUNK - E
    src = jnp.concatenate([ei[0], jnp.zeros((pad_idx,), jnp.int32)])
    src2d = jnp.concatenate([src, src + N]).reshape(2 * IPC, CHUNK)
    dst = jnp.concatenate([ei[1], jnp.full((pad_idx,), N, jnp.int32)])
    dst2d = dst.reshape(IPC, CHUNK)
    zeros_chunk = jnp.zeros((RPT, DH), jnp.float32)

    acc = _sc_edge_accumulate(hs, src2d, dst2d, zeros_chunk)
    neigh = acc[:N]

    pre, ssum, ssq = pl.pallas_call(
        _stats_body,
        grid=(_NB,),
        in_specs=[
            pl.BlockSpec(memory_space=pltpu.SMEM),
            pl.BlockSpec((_BR, D), lambda i: (i, 0)),
            pl.BlockSpec((_BR, D), lambda i: (i, 0)),
        ],
        out_specs=[
            pl.BlockSpec((_BR, D), lambda i: (i, 0)),
            pl.BlockSpec((1, D), lambda i: (0, 0)),
            pl.BlockSpec((1, D), lambda i: (0, 0)),
        ],
        out_shape=[
            jax.ShapeDtypeStruct((N, D), jnp.float32),
            jax.ShapeDtypeStruct((1, D), jnp.float32),
            jax.ShapeDtypeStruct((1, D), jnp.float32),
        ],
    )(eps, h, neigh)

    out = pl.pallas_call(
        _apply_body,
        grid=(_NB,),
        in_specs=[
            pl.BlockSpec((1, D), lambda i: (0, 0)),
            pl.BlockSpec((1, D), lambda i: (0, 0)),
            pl.BlockSpec((1, D), lambda i: (0, 0)),
            pl.BlockSpec((1, D), lambda i: (0, 0)),
            pl.BlockSpec((_BR, D), lambda i: (i, 0)),
        ],
        out_specs=pl.BlockSpec((_BR, D), lambda i: (i, 0)),
        out_shape=jax.ShapeDtypeStruct((N, D), jnp.float32),
    )(ssum, ssq, gamma.reshape(1, D), beta.reshape(1, D), pre)

    return out

# --- scband reference (transcript-rebuilt; emitter-appended) ---
"""Pipeline reference for scband-activation-ginlayer-77567109366534 (READ-ONLY COPY).

The authoritative reference and input builder live on the scoring server;
editing this copy changes nothing except your own understanding.
"""

import jax, jax.numpy as jnp
import numpy as np

N_NODES = 10000
N_EDGES = 320000
D = 128

def setup_inputs(seed: int = 0) -> dict:
    key = jax.random.key(seed)
    k1, k2, k3, k4 = jax.random.split(key, 4)
    h = jax.random.normal(k1, (N_NODES, D), dtype=jnp.float32)
    edge_index = jax.random.randint(k2, (2, N_EDGES), 0, N_NODES, dtype=jnp.int64)
    eps = jnp.zeros((1,), dtype=jnp.float32)  # buffer, learn_eps=False, init_eps=0
    gamma = jnp.ones((D,), dtype=jnp.float32)   # BatchNorm1d weight
    beta = jnp.zeros((D,), dtype=jnp.float32)   # BatchNorm1d bias
    return {"h": h, "edge_index": edge_index, "eps": eps, "gamma": gamma, "beta": beta}

def reference(h, edge_index, eps, gamma, beta):
    # norm is None -> 1, so h = h * 1
    src = edge_index[0]
    dst = edge_index[1]
    # update_all(copy_u('h','m'), fn.sum('m','neigh')): gather source features, scatter-add to dst
    messages = jnp.take(h, src, axis=0)
    neigh = jax.ops.segment_sum(messages, dst, num_segments=h.shape[0])
    out = (1.0 + eps) * h + neigh
    # batch_norm=True: BatchNorm1d in training mode (batch statistics, biased variance)
    mean = jnp.mean(out, axis=0)
    var = jnp.var(out, axis=0)
    out = (out - mean) / jnp.sqrt(var + 1e-5) * gamma + beta
    # activation=relu
    out = jax.nn.relu(out)
    # dropout p=0.0 -> identity
    return out

if __name__ == "__main__":
    import jax
    _d = setup_inputs()
    print(jax.jit(kernel)(*tuple(_d.values())))

</pallas_src>

<mosaic_0001>
#map = affine_map<(d0, d1) -> (0, 0)>
module attributes {stable_mosaic.version = 14 : i64} {
  func.func @_sc_edge_accumulate(%arg0: i32, %arg1: i32, %arg2: memref<20000x64xbf16, #tpu.memory_space<hbm>>, %arg3: memref<5136x128xi32, #tpu.memory_space<hbm>>, %arg4: memref<2568x128xi32, #tpu.memory_space<hbm>>, %arg5: memref<632x64xf32, #tpu.memory_space<hbm>>, %arg6: memref<10112x128xf32, #tpu.memory_space<hbm>>, %arg7: memref<168x128xi32, #tpu.memory_space<vmem>>, %arg8: memref<160x128xi32, #tpu.memory_space<vmem>>, %arg9: memref<128x64xbf16, #tpu.memory_space<vmem>>, %arg10: memref<128x64xbf16, #tpu.memory_space<vmem>>, %arg11: memref<128x64xf32, #tpu.memory_space<vmem>>, %arg12: memref<128x64xf32, #tpu.memory_space<vmem>>, %arg13: memref<10112x64xf32, #tpu.memory_space<vmem_shared>>, %arg14: memref<!tpu.dma_semaphore, #tpu.memory_space<semaphore_mem>>, %arg15: memref<!tpu.dma_semaphore, #tpu.memory_space<semaphore_mem>>, %arg16: memref<!tpu.dma_semaphore, #tpu.memory_space<semaphore_mem>>, %arg17: memref<!tpu.dma_semaphore, #tpu.memory_space<semaphore_mem>>) attributes {dimension_semantics = [#tpu.dimension_semantics<core_parallel>, #tpu.dimension_semantics<subcore_parallel>], iteration_bounds = array<i64: 2, 16>, scalar_prefetch = 0 : i64, scratch_operands = 11 : i64, tpu.core_type = #tpu.core_type<sc_vector_subcore>, window_params = [{transform_indices = #map}, {transform_indices = #map}, {transform_indices = #map}, {transform_indices = #map}, {transform_indices = #map}]} {
    %mul3A = arith.constant 632 : i32
    %mul3A_0 = arith.muli %arg1, %mul3A : i32
    "tpu.region"() ({
      %run_scoped3A = tpu.sem_alloc : memref<!tpu.dma_semaphore, #tpu.memory_space<semaphore_mem>>
      %dma_start3A_113 = arith.constant 0 : i32
      %dma_start3A_114 = tpu.memref_slice %arg13[%mul3A_0, %dma_start3A_113] : memref<10112x64xf32, #tpu.memory_space<vmem_shared>> -> memref<632x64xf32, #tpu.memory_space<vmem_shared>>
      tpu.enqueue_dma source(%arg5 : memref<632x64xf32, #tpu.memory_space<hbm>>) target(%dma_start3A_114 : memref<632x64xf32, #tpu.memory_space<vmem_shared>>) target_semaphore(%run_scoped3A : memref<!tpu.dma_semaphore, #tpu.memory_space<semaphore_mem>>)
      %dma_wait3A_115 = arith.constant 0 : i32
      %dma_wait3A_116 = tpu.memref_slice %arg13[%mul3A_0, %dma_wait3A_115] : memref<10112x64xf32, #tpu.memory_space<vmem_shared>> -> memref<632x64xf32, #tpu.memory_space<vmem_shared>>
      tpu.wait_dma2 semaphore(%run_scoped3A : memref<!tpu.dma_semaphore, #tpu.memory_space<semaphore_mem>>) src(%arg5 : memref<632x64xf32, #tpu.memory_space<hbm>>) dst(%dma_wait3A_116 : memref<632x64xf32, #tpu.memory_space<vmem_shared>>)
      tpu.yield
    }) : () -> ()
    %mul3A_1 = arith.constant 2568 : i32
    %mul3A_2 = arith.muli %arg0, %mul3A_1 : i32
    %mul3A_3 = arith.constant 160 : i32
    %mul3A_4 = arith.muli %arg1, %mul3A_3 : i32
    %add3A = arith.addi %mul3A_2, %mul3A_4 : i32
    "tpu.region"() ({
      %run_scoped3A = tpu.sem_alloc : memref<!tpu.dma_semaphore, #tpu.memory_space<semaphore_mem>>
      %dma_start3A_113 = arith.constant 0 : i32
      %dma_start3A_114 = tpu.memref_slice %arg3[%add3A, %dma_start3A_113] : memref<5136x128xi32, #tpu.memory_space<hbm>> -> memref<168x128xi32, #tpu.memory_space<hbm>>
      %dma_start3A_115 = arith.constant 0 : i32
      %dma_start3A_116 = tpu.memref_slice %arg3[%add3A, %dma_start3A_115] : memref<5136x128xi32, #tpu.memory_space<hbm>> -> memref<168x128xi32, #tpu.memory_space<hbm>>
      tpu.enqueue_dma source(%dma_start3A_116 : memref<168x128xi32, #tpu.memory_space<hbm>>) target(%arg7 : memref<168x128xi32, #tpu.memory_space<vmem>>) target_semaphore(%run_scoped3A : memref<!tpu.dma_semaphore, #tpu.memory_space<semaphore_mem>>)
      %dma_wait3A_117 = arith.constant 0 : i32
      %dma_wait3A_118 = tpu.memref_slice %arg3[%add3A, %dma_wait3A_117] : memref<5136x128xi32, #tpu.memory_space<hbm>> -> memref<168x128xi32, #tpu.memory_space<hbm>>
      %dma_wait3A_119 = arith.constant 0 : i32
      %dma_wait3A_120 = tpu.memref_slice %arg3[%add3A, %dma_wait3A_119] : memref<5136x128xi32, #tpu.memory_space<hbm>> -> memref<168x128xi32, #tpu.memory_space<hbm>>
      tpu.wait_dma2 semaphore(%run_scoped3A : memref<!tpu.dma_semaphore, #tpu.memory_space<semaphore_mem>>) src(%dma_wait3A_120 : memref<168x128xi32, #tpu.memory_space<hbm>>) dst(%arg7 : memref<168x128xi32, #tpu.memory_space<vmem>>)
      tpu.yield
    }) : () -> ()
    %mul3A_5 = arith.constant 160 : i32
    %mul3A_6 = arith.muli %arg1, %mul3A_5 : i32
    "tpu.region"() ({
      %run_scoped3A = tpu.sem_alloc : memref<!tpu.dma_semaphore, #tpu.memory_space<semaphore_mem>>
      %dma_start3A_113 = arith.constant 0 : i32
      %dma_start3A_114 = tpu.memref_slice %arg4[%mul3A_6, %dma_start3A_113] : memref<2568x128xi32, #tpu.memory_space<hbm>> -> memref<160x128xi32, #tpu.memory_space<hbm>>
      %dma_start3A_115 = arith.constant 0 : i32
      %dma_start3A_116 = tpu.memref_slice %arg4[%mul3A_6, %dma_start3A_115] : memref<2568x128xi32, #tpu.memory_space<hbm>> -> memref<160x128xi32, #tpu.memory_space<hbm>>
      tpu.enqueue_dma source(%dma_start3A_116 : memref<160x128xi32, #tpu.memory_space<hbm>>) target(%arg8 : memref<160x128xi32, #tpu.memory_space<vmem>>) target_semaphore(%run_scoped3A : memref<!tpu.dma_semaphore, #tpu.memory_space<semaphore_mem>>)
      %dma_wait3A_117 = arith.constant 0 : i32
      %dma_wait3A_118 = tpu.memref_slice %arg4[%mul3A_6, %dma_wait3A_117] : memref<2568x128xi32, #tpu.memory_space<hbm>> -> memref<160x128xi32, #tpu.memory_space<hbm>>
      %dma_wait3A_119 = arith.constant 0 : i32
      %dma_wait3A_120 = tpu.memref_slice %arg4[%mul3A_6, %dma_wait3A_119] : memref<2568x128xi32, #tpu.memory_space<hbm>> -> memref<160x128xi32, #tpu.memory_space<hbm>>
      tpu.wait_dma2 semaphore(%run_scoped3A : memref<!tpu.dma_semaphore, #tpu.memory_space<semaphore_mem>>) src(%dma_wait3A_120 : memref<160x128xi32, #tpu.memory_space<hbm>>) dst(%arg8 : memref<160x128xi32, #tpu.memory_space<vmem>>)
      tpu.yield
    }) : () -> ()
    %dma_start3A = arith.constant 0 : i32
    %dma_start3A_7 = arith.constant 0 : i32
    %dma_start3A_8 = tpu.memref_slice %arg7[%dma_start3A, %dma_start3A_7] : memref<168x128xi32, #tpu.memory_space<vmem>> -> memref<1x128xi32, #tpu.memory_space<vmem>>
    %dma_start3A_9 = tpu.memref_squeeze %dma_start3A_8 : memref<1x128xi32, #tpu.memory_space<vmem>> -> memref<128xi32, #tpu.memory_space<vmem>>
    %dma_start3A_10 = arith.constant 0 : i32
    %dma_start3A_11 = arith.constant 0 : i32
    %dma_start3A_12 = tpu.memref_slice %arg2[%dma_start3A_10, %dma_start3A_11] : memref<20000x64xbf16, #tpu.memory_space<hbm>> -> memref<20000x64xbf16, #tpu.memory_space<hbm>>
    tpu.enqueue_indirect_dma source(%dma_start3A_12 : memref<20000x64xbf16, #tpu.memory_space<hbm>>) target(%arg9 : memref<128x64xbf16, #tpu.memory_space<vmem>>) offsets(%dma_start3A_9 : memref<128xi32, #tpu.memory_space<vmem>>) semaphore(%arg14 : memref<!tpu.dma_semaphore, #tpu.memory_space<semaphore_mem>>)
    %dma_start3A_13 = arith.constant 1 : i32
    %dma_start3A_14 = arith.constant 0 : i32
    %dma_start3A_15 = tpu.memref_slice %arg7[%dma_start3A_13, %dma_start3A_14] : memref<168x128xi32, #tpu.memory_space<vmem>> -> memref<1x128xi32, #tpu.memory_space<vmem>>
    %dma_start3A_16 = tpu.memref_squeeze %dma_start3A_15 : memref<1x128xi32, #tpu.memory_space<vmem>> -> memref<128xi32, #tpu.memory_space<vmem>>
    %dma_start3A_17 = arith.constant 0 : i32
    %dma_start3A_18 = arith.constant 0 : i32
    %dma_start3A_19 = tpu.memref_slice %arg2[%dma_start3A_17, %dma_start3A_18] : memref<20000x64xbf16, #tpu.memory_space<hbm>> -> memref<20000x64xbf16, #tpu.memory_space<hbm>>
    tpu.enqueue_indirect_dma source(%dma_start3A_19 : memref<20000x64xbf16, #tpu.memory_space<hbm>>) target(%arg10 : memref<128x64xbf16, #tpu.memory_space<vmem>>) offsets(%dma_start3A_16 : memref<128xi32, #tpu.memory_space<vmem>>) semaphore(%arg15 : memref<!tpu.dma_semaphore, #tpu.memory_space<semaphore_mem>>)
    %barrier3A = arith.constant 0 : index
    tpu.barrier barrier_id(%barrier3A)
    %dma_wait3A = arith.constant 0 : i32
    %dma_wait3A_20 = arith.constant 0 : i32
    %dma_wait3A_21 = tpu.memref_slice %arg7[%dma_wait3A, %dma_wait3A_20] : memref<168x128xi32, #tpu.memory_space<vmem>> -> memref<1x128xi32, #tpu.memory_space<vmem>>
    %dma_wait3A_22 = tpu.memref_squeeze %dma_wait3A_21 : memref<1x128xi32, #tpu.memory_space<vmem>> -> memref<128xi32, #tpu.memory_space<vmem>>
    %dma_wait3A_23 = arith.constant 0 : i32
    %dma_wait3A_24 = arith.constant 0 : i32
    %dma_wait3A_25 = tpu.memref_slice %arg2[%dma_wait3A_23, %dma_wait3A_24] : memref<20000x64xbf16, #tpu.memory_space<hbm>> -> memref<20000x64xbf16, #tpu.memory_space<hbm>>
    tpu.wait_indirect_dma semaphore(%arg14 : memref<!tpu.dma_semaphore, #tpu.memory_space<semaphore_mem>>) src(%dma_wait3A_25 : memref<20000x64xbf16, #tpu.memory_space<hbm>>) dst(%arg9 : memref<128x64xbf16, #tpu.memory_space<vmem>>)
    %scan3A = arith.constant 0 : i32
    %scan3A_26 = arith.constant 0 : i32
    %scan3A_27 = arith.constant 64 : i32
    %scan3A_28 = arith.addi %scan3A_26, %scan3A_27 : i32
    %scan3A_29 = arith.constant 1 : i32
    scf.for %scan3A_113 = %scan3A_26 to %scan3A_28 step %scan3A_29  : i32 {
      %mul3A_114 = arith.constant 2 : i32
      %mul3A_115 = arith.muli %scan3A_113, %mul3A_114 : i32
      %add3A_116 = arith.constant 0 : i32
      %add3A_117 = arith.addi %mul3A_115, %add3A_116 : i32
      %mul3A_118 = arith.constant 2 : i32
      %mul3A_119 = arith.muli %scan3A_113, %mul3A_118 : i32
      %add3A_120 = arith.constant 0 : i32
      %add3A_121 = arith.addi %mul3A_119, %add3A_120 : i32
      %get3A = arith.index_cast %add3A_121 : i32 to index
      %get3A_122 = arith.constant 0 : index
      %get3A_123 = tpu.vector_load %arg9[%get3A, %get3A_122] {strides = array<i32>} : memref<128x64xbf16, #tpu.memory_space<vmem>>, vector<32xbf16>,
      %mul3A_124 = arith.constant 2 : i32
      %mul3A_125 = arith.muli %scan3A_113, %mul3A_124 : i32
      %add3A_126 = arith.constant 0 : i32
      %add3A_127 = arith.addi %mul3A_125, %add3A_126 : i32
      %mul3A_128 = arith.constant 2 : i32
      %mul3A_129 = arith.muli %scan3A_113, %mul3A_128 : i32
      %add3A_130 = arith.constant 0 : i32
      %add3A_131 = arith.addi %mul3A_129, %add3A_130 : i32
      %get3A_132 = arith.index_cast %add3A_131 : i32 to index
      %get3A_133 = arith.constant 32 : index
      %get3A_134 = tpu.vector_load %arg9[%get3A_132, %get3A_133] {strides = array<i32>} : memref<128x64xbf16, #tpu.memory_space<vmem>>, vector<32xbf16>,
      %mul3A_135 = arith.constant 2 : i32
      %mul3A_136 = arith.muli %scan3A_113, %mul3A_135 : i32
      %add3A_137 = arith.constant 1 : i32
      %add3A_138 = arith.addi %mul3A_136, %add3A_137 : i32
      %mul3A_139 = arith.constant 2 : i32
      %mul3A_140 = arith.muli %scan3A_113, %mul3A_139 : i32
      %add3A_141 = arith.constant 1 : i32
      %add3A_142 = arith.addi %mul3A_140, %add3A_141 : i32
      %get3A_143 = arith.index_cast %add3A_142 : i32 to index
      %get3A_144 = arith.constant 0 : index
      %get3A_145 = tpu.vector_load %arg9[%get3A_143, %get3A_144] {strides = array<i32>} : memref<128x64xbf16, #tpu.memory_space<vmem>>, vector<32xbf16>,
      %mul3A_146 = arith.constant 2 : i32
      %mul3A_147 = arith.muli %scan3A_113, %mul3A_146 : i32
      %add3A_148 = arith.constant 1 : i32
      %add3A_149 = arith.addi %mul3A_147, %add3A_148 : i32
      %mul3A_150 = arith.constant 2 : i32
      %mul3A_151 = arith.muli %scan3A_113, %mul3A_150 : i32
      %add3A_152 = arith.constant 1 : i32
      %add3A_153 = arith.addi %mul3A_151, %add3A_152 : i32
      %get3A_154 = arith.index_cast %add3A_153 : i32 to index
      %get3A_155 = arith.constant 32 : index
      %get3A_156 = tpu.vector_load %arg9[%get3A_154, %get3A_155] {strides = array<i32>} : memref<128x64xbf16, #tpu.memory_space<vmem>>, vector<32xbf16>,
      %unpack3A = tpu.unpack_subelements %get3A_123, 0 {pack_format = #tpu.pack_format<interleaved>} : vector<32xbf16> -> vector<16xf32>
      %unpack3A_157 = tpu.unpack_subelements %get3A_123, 1 {pack_format = #tpu.pack_format<interleaved>} : vector<32xbf16> -> vector<16xf32>
      %swap3A = arith.index_cast %add3A_117 : i32 to index
      %swap3A_158 = arith.constant 0 : index
      %swap3A_159 = tpu.vector_load %arg11[%swap3A, %swap3A_158] {strides = array<i32>} : memref<128x64xf32, #tpu.memory_space<vmem>>, vector<16xf32>,
      tpu.vector_store %arg11[%swap3A, %swap3A_158], %unpack3A {strides = array<i32>} : memref<128x64xf32, #tpu.memory_space<vmem>>, vector<16xf32>,
      %swap3A_160 = arith.index_cast %add3A_117 : i32 to index
      %swap3A_161 = arith.constant 16 : index
      %swap3A_162 = tpu.vector_load %arg11[%swap3A_160, %swap3A_161] {strides = array<i32>} : memref<128x64xf32, #tpu.memory_space<vmem>>, vector<16xf32>,
      tpu.vector_store %arg11[%swap3A_160, %swap3A_161], %unpack3A_157 {strides = array<i32>} : memref<128x64xf32, #tpu.memory_space<vmem>>, vector<16xf32>,
      %unpack3A_163 = tpu.unpack_subelements %get3A_134, 0 {pack_format = #tpu.pack_format<interleaved>} : vector<32xbf16> -> vector<16xf32>
      %unpack3A_164 = tpu.unpack_subelements %get3A_134, 1 {pack_format = #tpu.pack_format<interleaved>} : vector<32xbf16> -> vector<16xf32>
      %swap3A_165 = arith.index_cast %add3A_127 : i32 to index
      %swap3A_166 = arith.constant 32 : index
      %swap3A_167 = tpu.vector_load %arg11[%swap3A_165, %swap3A_166] {strides = array<i32>} : memref<128x64xf32, #tpu.memory_space<vmem>>, vector<16xf32>,
      tpu.vector_store %arg11[%swap3A_165, %swap3A_166], %unpack3A_163 {strides = array<i32>} : memref<128x64xf32, #tpu.memory_space<vmem>>, vector<16xf32>,
      %swap3A_168 = arith.index_cast %add3A_127 : i32 to index
      %swap3A_169 = arith.constant 48 : index
      %swap3A_170 = tpu.vector_load %arg11[%swap3A_168, %swap3A_169] {strides = array<i32>} : memref<128x64xf32, #tpu.memory_space<vmem>>, vector<16xf32>,
      tpu.vector_store %arg11[%swap3A_168, %swap3A_169], %unpack3A_164 {strides = array<i32>} : memref<128x64xf32, #tpu.memory_space<vmem>>, vector<16xf32>,
      %unpack3A_171 = tpu.unpack_subelements %get3A_145, 0 {pack_format = #tpu.pack_format<interleaved>} : vector<32xbf16> -> vector<16xf32>
      %unpack3A_172 = tpu.unpack_subelements %get3A_145, 1 {pack_format = #tpu.pack_format<interleaved>} : vector<32xbf16> -> vector<16xf32>
      %swap3A_173 = arith.index_cast %add3A_138 : i32 to index
      %swap3A_174 = arith.constant 0 : index
      %swap3A_175 = tpu.vector_load %arg11[%swap3A_173, %swap3A_174] {strides = array<i32>} : memref<128x64xf32, #tpu.memory_space<vmem>>, vector<16xf32>,
      tpu.vector_store %arg11[%swap3A_173, %swap3A_174], %unpack3A_171 {strides = array<i32>} : memref<128x64xf32, #tpu.memory_space<vmem>>, vector<16xf32>,
      %swap3A_176 = arith.index_cast %add3A_138 : i32 to index
      %swap3A_177 = arith.constant 16 : index
      %swap3A_178 = tpu.vector_load %arg11[%swap3A_176, %swap3A_177] {strides = array<i32>} : memref<128x64xf32, #tpu.memory_space<vmem>>, vector<16xf32>,
      tpu.vector_store %arg11[%swap3A_176, %swap3A_177], %unpack3A_172 {strides = array<i32>} : memref<128x64xf32, #tpu.memory_space<vmem>>, vector<16xf32>,
      %unpack3A_179 = tpu.unpack_subelements %get3A_156, 0 {pack_format = #tpu.pack_format<interleaved>} : vector<32xbf16> -> vector<16xf32>
      %unpack3A_180 = tpu.unpack_subelements %get3A_156, 1 {pack_format = #tpu.pack_format<interleaved>} : vector<32xbf16> -> vector<16xf32>
      %swap3A_181 = arith.index_cast %add3A_149 : i32 to index
      %swap3A_182 = arith.constant 32 : index
      %swap3A_183 = tpu.vector_load %arg11[%swap3A_181, %swap3A_182] {strides = array<i32>} : memref<128x64xf32, #tpu.memory_space<vmem>>, vector<16xf32>,
      tpu.vector_store %arg11[%swap3A_181, %swap3A_182], %unpack3A_179 {strides = array<i32>} : memref<128x64xf32, #tpu.memory_space<vmem>>, vector<16xf32>,
      %swap3A_184 = arith.index_cast %add3A_149 : i32 to index
      %swap3A_185 = arith.constant 48 : index
      %swap3A_186 = tpu.vector_load %arg11[%swap3A_184, %swap3A_185] {strides = array<i32>} : memref<128x64xf32, #tpu.memory_space<vmem>>, vector<16xf32>,
      tpu.vector_store %arg11[%swap3A_184, %swap3A_185], %unpack3A_180 {strides = array<i32>} : memref<128x64xf32, #tpu.memory_space<vmem>>, vector<16xf32>,
    }
    %scan3A_30 = arith.constant 64 : i32
    %dma_start3A_31 = arith.constant 2 : i32
    %dma_start3A_32 = arith.constant 0 : i32
    %dma_start3A_33 = tpu.memref_slice %arg7[%dma_start3A_31, %dma_start3A_32] : memref<168x128xi32, #tpu.memory_space<vmem>> -> memref<1x128xi32, #tpu.memory_space<vmem>>
    %dma_start3A_34 = tpu.memref_squeeze %dma_start3A_33 : memref<1x128xi32, #tpu.memory_space<vmem>> -> memref<128xi32, #tpu.memory_space<vmem>>
    %dma_start3A_35 = arith.constant 0 : i32
    %dma_start3A_36 = arith.constant 0 : i32
    %dma_start3A_37 = tpu.memref_slice %arg2[%dma_start3A_35, %dma_start3A_36] : memref<20000x64xbf16, #tpu.memory_space<hbm>> -> memref<20000x64xbf16, #tpu.memory_space<hbm>>
    tpu.enqueue_indirect_dma source(%dma_start3A_37 : memref<20000x64xbf16, #tpu.memory_space<hbm>>) target(%arg9 : memref<128x64xbf16, #tpu.memory_space<vmem>>) offsets(%dma_start3A_34 : memref<128xi32, #tpu.memory_space<vmem>>) semaphore(%arg14 : memref<!tpu.dma_semaphore, #tpu.memory_space<semaphore_mem>>)
    %dma_start3A_38 = arith.constant 0 : i32
    %dma_start3A_39 = arith.constant 0 : i32
    %dma_start3A_40 = tpu.memref_slice %arg8[%dma_start3A_38, %dma_start3A_39] : memref<160x128xi32, #tpu.memory_space<vmem>> -> memref<1x128xi32, #tpu.memory_space<vmem>>
    %dma_start3A_41 = tpu.memref_squeeze %dma_start3A_40 : memref<1x128xi32, #tpu.memory_space<vmem>> -> memref<128xi32, #tpu.memory_space<vmem>>
    %dma_start3A_42 = arith.constant 0 : i32
    %dma_start3A_43 = arith.constant 0 : i32
    %dma_start3A_44 = tpu.memref_slice %arg13[%dma_start3A_42, %dma_start3A_43] : memref<10112x64xf32, #tpu.memory_space<vmem_shared>> -> memref<10112x64xf32, #tpu.memory_space<vmem_shared>>
    tpu.enqueue_indirect_dma source(%arg11 : memref<128x64xf32, #tpu.memory_space<vmem>>) target(%dma_start3A_44 : memref<10112x64xf32, #tpu.memory_space<vmem_shared>>) offsets(%dma_start3A_41 : memref<128xi32, #tpu.memory_space<vmem>>) semaphore(%arg16 : memref<!tpu.dma_semaphore, #tpu.memory_space<semaphore_mem>>) {add = true}
    %dma_wait3A_45 = arith.constant 1 : i32
    %dma_wait3A_46 = arith.constant 0 : i32
    %dma_wait3A_47 = tpu.memref_slice %arg7[%dma_wait3A_45, %dma_wait3A_46] : memref<168x128xi32, #tpu.memory_space<vmem>> -> memref<1x128xi32, #tpu.memory_space<vmem>>
    %dma_wait3A_48 = tpu.memref_squeeze %dma_wait3A_47 : memref<1x128xi32, #tpu.memory_space<vmem>> -> memref<128xi32, #tpu.memory_space<vmem>>
    %dma_wait3A_49 = arith.constant 0 : i32
    %dma_wait3A_50 = arith.constant 0 : i32
    %dma_wait3A_51 = tpu.memref_slice %arg2[%dma_wait3A_49, %dma_wait3A_50] : memref<20000x64xbf16, #tpu.memory_space<hbm>> -> memref<20000x64xbf16, #tpu.memory_space<hbm>>
    tpu.wait_indirect_dma semaphore(%arg15 : memref<!tpu.dma_semaphore, #tpu.memory_space<semaphore_mem>>) src(%dma_wait3A_51 : memref<20000x64xbf16, #tpu.memory_space<hbm>>) dst(%arg10 : memref<128x64xbf16, #tpu.memory_space<vmem>>)
    %scan3A_52 = arith.constant 0 : i32
    %scan3A_53 = arith.constant 0 : i32
    %scan3A_54 = arith.constant 64 : i32
    %scan3A_55 = arith.addi %scan3A_53, %scan3A_54 : i32
    %scan3A_56 = arith.constant 1 : i32
    scf.for %scan3A_113 = %scan3A_53 to %scan3A_55 step %scan3A_56  : i32 {
      %mul3A_114 = arith.constant 2 : i32
      %mul3A_115 = arith.muli %scan3A_113, %mul3A_114 : i32
      %add3A_116 = arith.constant 0 : i32
      %add3A_117 = arith.addi %mul3A_115, %add3A_116 : i32
      %mul3A_118 = arith.constant 2 : i32
      %mul3A_119 = arith.muli %scan3A_113, %mul3A_118 : i32
      %add3A_120 = arith.constant 0 : i32
      %add3A_121 = arith.addi %mul3A_119, %add3A_120 : i32
      %get3A = arith.index_cast %add3A_121 : i32 to index
      %get3A_122 = arith.constant 0 : index
      %get3A_123 = tpu.vector_load %arg10[%get3A, %get3A_122] {strides = array<i32>} : memref<128x64xbf16, #tpu.memory_space<vmem>>, vector<32xbf16>,
      %mul3A_124 = arith.constant 2 : i32
      %mul3A_125 = arith.muli %scan3A_113, %mul3A_124 : i32
      %add3A_126 = arith.constant 0 : i32
      %add3A_127 = arith.addi %mul3A_125, %add3A_126 : i32
      %mul3A_128 = arith.constant 2 : i32
      %mul3A_129 = arith.muli %scan3A_113, %mul3A_128 : i32
      %add3A_130 = arith.constant 0 : i32
      %add3A_131 = arith.addi %mul3A_129, %add3A_130 : i32
      %get3A_132 = arith.index_cast %add3A_131 : i32 to index
      %get3A_133 = arith.constant 32 : index
      %get3A_134 = tpu.vector_load %arg10[%get3A_132, %get3A_133] {strides = array<i32>} : memref<128x64xbf16, #tpu.memory_space<vmem>>, vector<32xbf16>,
      %mul3A_135 = arith.constant 2 : i32
      %mul3A_136 = arith.muli %scan3A_113, %mul3A_135 : i32
      %add3A_137 = arith.constant 1 : i32
      %add3A_138 = arith.addi %mul3A_136, %add3A_137 : i32
      %mul3A_139 = arith.constant 2 : i32
      %mul3A_140 = arith.muli %scan3A_113, %mul3A_139 : i32
      %add3A_141 = arith.constant 1 : i32
      %add3A_142 = arith.addi %mul3A_140, %add3A_141 : i32
      %get3A_143 = arith.index_cast %add3A_142 : i32 to index
      %get3A_144 = arith.constant 0 : index
      %get3A_145 = tpu.vector_load %arg10[%get3A_143, %get3A_144] {strides = array<i32>} : memref<128x64xbf16, #tpu.memory_space<vmem>>, vector<32xbf16>,
      %mul3A_146 = arith.constant 2 : i32
      %mul3A_147 = arith.muli %scan3A_113, %mul3A_146 : i32
      %add3A_148 = arith.constant 1 : i32
      %add3A_149 = arith.addi %mul3A_147, %add3A_148 : i32
      %mul3A_150 = arith.constant 2 : i32
      %mul3A_151 = arith.muli %scan3A_113, %mul3A_150 : i32
      %add3A_152 = arith.constant 1 : i32
      %add3A_153 = arith.addi %mul3A_151, %add3A_152 : i32
      %get3A_154 = arith.index_cast %add3A_153 : i32 to index
      %get3A_155 = arith.constant 32 : index
      %get3A_156 = tpu.vector_load %arg10[%get3A_154, %get3A_155] {strides = array<i32>} : memref<128x64xbf16, #tpu.memory_space<vmem>>, vector<32xbf16>,
      %unpack3A = tpu.unpack_subelements %get3A_123, 0 {pack_format = #tpu.pack_format<interleaved>} : vector<32xbf16> -> vector<16xf32>
      %unpack3A_157 = tpu.unpack_subelements %get3A_123, 1 {pack_format = #tpu.pack_format<interleaved>} : vector<32xbf16> -> vector<16xf32>
      %swap3A = arith.index_cast %add3A_117 : i32 to index
      %swap3A_158 = arith.constant 0 : index
      %swap3A_159 = tpu.vector_load %arg12[%swap3A, %swap3A_158] {strides = array<i32>} : memref<128x64xf32, #tpu.memory_space<vmem>>, vector<16xf32>,
      tpu.vector_store %arg12[%swap3A, %swap3A_158], %unpack3A {strides = array<i32>} : memref<128x64xf32, #tpu.memory_space<vmem>>, vector<16xf32>,
      %swap3A_160 = arith.index_cast %add3A_117 : i32 to index
      %swap3A_161 = arith.constant 16 : index
      %swap3A_162 = tpu.vector_load %arg12[%swap3A_160, %swap3A_161] {strides = array<i32>} : memref<128x64xf32, #tpu.memory_space<vmem>>, vector<16xf32>,
      tpu.vector_store %arg12[%swap3A_160, %swap3A_161], %unpack3A_157 {strides = array<i32>} : memref<128x64xf32, #tpu.memory_space<vmem>>, vector<16xf32>,
      %unpack3A_163 = tpu.unpack_subelements %get3A_134, 0 {pack_format = #tpu.pack_format<interleaved>} : vector<32xbf16> -> vector<16xf32>
      %unpack3A_164 = tpu.unpack_subelements %get3A_134, 1 {pack_format = #tpu.pack_format<interleaved>} : vector<32xbf16> -> vector<16xf32>
      %swap3A_165 = arith.index_cast %add3A_127 : i32 to index
      %swap3A_166 = arith.constant 32 : index
      %swap3A_167 = tpu.vector_load %arg12[%swap3A_165, %swap3A_166] {strides = array<i32>} : memref<128x64xf32, #tpu.memory_space<vmem>>, vector<16xf32>,
      tpu.vector_store %arg12[%swap3A_165, %swap3A_166], %unpack3A_163 {strides = array<i32>} : memref<128x64xf32, #tpu.memory_space<vmem>>, vector<16xf32>,
      %swap3A_168 = arith.index_cast %add3A_127 : i32 to index
      %swap3A_169 = arith.constant 48 : index
      %swap3A_170 = tpu.vector_load %arg12[%swap3A_168, %swap3A_169] {strides = array<i32>} : memref<128x64xf32, #tpu.memory_space<vmem>>, vector<16xf32>,
      tpu.vector_store %arg12[%swap3A_168, %swap3A_169], %unpack3A_164 {strides = array<i32>} : memref<128x64xf32, #tpu.memory_space<vmem>>, vector<16xf32>,
      %unpack3A_171 = tpu.unpack_subelements %get3A_145, 0 {pack_format = #tpu.pack_format<interleaved>} : vector<32xbf16> -> vector<16xf32>
      %unpack3A_172 = tpu.unpack_subelements %get3A_145, 1 {pack_format = #tpu.pack_format<interleaved>} : vector<32xbf16> -> vector<16xf32>
      %swap3A_173 = arith.index_cast %add3A_138 : i32 to index
      %swap3A_174 = arith.constant 0 : index
      %swap3A_175 = tpu.vector_load %arg12[%swap3A_173, %swap3A_174] {strides = array<i32>} : memref<128x64xf32, #tpu.memory_space<vmem>>, vector<16xf32>,
      tpu.vector_store %arg12[%swap3A_173, %swap3A_174], %unpack3A_171 {strides = array<i32>} : memref<128x64xf32, #tpu.memory_space<vmem>>, vector<16xf32>,
      %swap3A_176 = arith.index_cast %add3A_138 : i32 to index
      %swap3A_177 = arith.constant 16 : index
      %swap3A_178 = tpu.vector_load %arg12[%swap3A_176, %swap3A_177] {strides = array<i32>} : memref<128x64xf32, #tpu.memory_space<vmem>>, vector<16xf32>,
      tpu.vector_store %arg12[%swap3A_176, %swap3A_177], %unpack3A_172 {strides = array<i32>} : memref<128x64xf32, #tpu.memory_space<vmem>>, vector<16xf32>,
      %unpack3A_179 = tpu.unpack_subelements %get3A_156, 0 {pack_format = #tpu.pack_format<interleaved>} : vector<32xbf16> -> vector<16xf32>
      %unpack3A_180 = tpu.unpack_subelements %get3A_156, 1 {pack_format = #tpu.pack_format<interleaved>} : vector<32xbf16> -> vector<16xf32>
      %swap3A_181 = arith.index_cast %add3A_149 : i32 to index
      %swap3A_182 = arith.constant 32 : index
      %swap3A_183 = tpu.vector_load %arg12[%swap3A_181, %swap3A_182] {strides = array<i32>} : memref<128x64xf32, #tpu.memory_space<vmem>>, vector<16xf32>,
      tpu.vector_store %arg12[%swap3A_181, %swap3A_182], %unpack3A_179 {strides = array<i32>} : memref<128x64xf32, #tpu.memory_space<vmem>>, vector<16xf32>,
      %swap3A_184 = arith.index_cast %add3A_149 : i32 to index
      %swap3A_185 = arith.constant 48 : index
      %swap3A_186 = tpu.vector_load %arg12[%swap3A_184, %swap3A_185] {strides = array<i32>} : memref<128x64xf32, #tpu.memory_space<vmem>>, vector<16xf32>,
      tpu.vector_store %arg12[%swap3A_184, %swap3A_185], %unpack3A_180 {strides = array<i32>} : memref<128x64xf32, #tpu.memory_space<vmem>>, vector<16xf32>,
    }
    %scan3A_57 = arith.constant 64 : i32
    %dma_start3A_58 = arith.constant 3 : i32
    %dma_start3A_59 = arith.constant 0 : i32
    %dma_start3A_60 = tpu.memref_slice %arg7[%dma_start3A_58, %dma_start3A_59] : memref<168x128xi32, #tpu.memory_space<vmem>> -> memref<1x128xi32, #tpu.memory_space<vmem>>
    %dma_start3A_61 = tpu.memref_squeeze %dma_start3A_60 : memref<1x128xi32, #tpu.memory_space<vmem>> -> memref<128xi32, #tpu.memory_space<vmem>>
    %dma_start3A_62 = arith.constant 0 : i32
    %dma_start3A_63 = arith.constant 0 : i32
    %dma_start3A_64 = tpu.memref_slice %arg2[%dma_start3A_62, %dma_start3A_63] : memref<20000x64xbf16, #tpu.memory_space<hbm>> -> memref<20000x64xbf16, #tpu.memory_space<hbm>>
    tpu.enqueue_indirect_dma source(%dma_start3A_64 : memref<20000x64xbf16, #tpu.memory_space<hbm>>) target(%arg10 : memref<128x64xbf16, #tpu.memory_space<vmem>>) offsets(%dma_start3A_61 : memref<128xi32, #tpu.memory_space<vmem>>) semaphore(%arg15 : memref<!tpu.dma_semaphore, #tpu.memory_space<semaphore_mem>>)
    %dma_start3A_65 = arith.constant 1 : i32
    %dma_start3A_66 = arith.constant 0 : i32
    %dma_start3A_67 = tpu.memref_slice %arg8[%dma_start3A_65, %dma_start3A_66] : memref<160x128xi32, #tpu.memory_space<vmem>> -> memref<1x128xi32, #tpu.memory_space<vmem>>
    %dma_start3A_68 = tpu.memref_squeeze %dma_start3A_67 : memref<1x128xi32, #tpu.memory_space<vmem>> -> memref<128xi32, #tpu.memory_space<vmem>>
    %dma_start3A_69 = arith.constant 0 : i32
    %dma_start3A_70 = arith.constant 0 : i32
    %dma_start3A_71 = tpu.memref_slice %arg13[%dma_start3A_69, %dma_start3A_70] : memref<10112x64xf32, #tpu.memory_space<vmem_shared>> -> memref<10112x64xf32, #tpu.memory_space<vmem_shared>>
    tpu.enqueue_indirect_dma source(%arg12 : memref<128x64xf32, #tpu.memory_space<vmem>>) target(%dma_start3A_71 : memref<10112x64xf32, #tpu.memory_space<vmem_shared>>) offsets(%dma_start3A_68 : memref<128xi32, #tpu.memory_space<vmem>>) semaphore(%arg17 : memref<!tpu.dma_semaphore, #tpu.memory_space<semaphore_mem>>) {add = true}
    %scan3A_72 = arith.constant 0 : i32
    %scan3A_73 = arith.constant 1 : i32
    %scan3A_74 = arith.constant 79 : i32
    %scan3A_75 = arith.addi %scan3A_73, %scan3A_74 : i32
    %scan3A_76 = arith.constant 1 : i32
    scf.for %scan3A_113 = %scan3A_73 to %scan3A_75 step %scan3A_76  : i32 {
      %mul3A_114 = arith.constant 2 : i32
      %mul3A_115 = arith.muli %mul3A_114, %scan3A_113 : i32
      %add3A_116 = arith.constant 0 : i32
      %add3A_117 = arith.addi %mul3A_115, %add3A_116 : i32
      %dma_wait3A_118 = arith.constant 0 : i32
      %dma_wait3A_119 = tpu.memref_slice %arg7[%add3A_117, %dma_wait3A_118] : memref<168x128xi32, #tpu.memory_space<vmem>> -> memref<1x128xi32, #tpu.memory_space<vmem>>
      %dma_wait3A_120 = tpu.memref_squeeze %dma_wait3A_119 : memref<1x128xi32, #tpu.memory_space<vmem>> -> memref<128xi32, #tpu.memory_space<vmem>>
      %dma_wait3A_121 = arith.constant 0 : i32
      %dma_wait3A_122 = arith.constant 0 : i32
      %dma_wait3A_123 = tpu.memref_slice %arg2[%dma_wait3A_121, %dma_wait3A_122] : memref<20000x64xbf16, #tpu.memory_space<hbm>> -> memref<20000x64xbf16, #tpu.memory_space<hbm>>
      tpu.wait_indirect_dma semaphore(%arg14 : memref<!tpu.dma_semaphore, #tpu.memory_space<semaphore_mem>>) src(%dma_wait3A_123 : memref<20000x64xbf16, #tpu.memory_space<hbm>>) dst(%arg9 : memref<128x64xbf16, #tpu.memory_space<vmem>>)
      %dma_wait3A_124 = arith.constant 0 : i32
      %dma_wait3A_125 = tpu.memref_slice %arg8[%add3A_117, %dma_wait3A_124] : memref<160x128xi32, #tpu.memory_space<vmem>> -> memref<1x128xi32, #tpu.memory_space<vmem>>
      %dma_wait3A_126 = tpu.memref_squeeze %dma_wait3A_125 : memref<1x128xi32, #tpu.memory_space<vmem>> -> memref<128xi32, #tpu.memory_space<vmem>>
      %dma_wait3A_127 = arith.constant 0 : i32
      %dma_wait3A_128 = arith.constant 0 : i32
      %dma_wait3A_129 = tpu.memref_slice %arg13[%dma_wait3A_127, %dma_wait3A_128] : memref<10112x64xf32, #tpu.memory_space<vmem_shared>> -> memref<10112x64xf32, #tpu.memory_space<vmem_shared>>
      tpu.wait_indirect_dma semaphore(%arg16 : memref<!tpu.dma_semaphore, #tpu.memory_space<semaphore_mem>>) src(%arg11 : memref<128x64xf32, #tpu.memory_space<vmem>>) dst(%dma_wait3A_129 : memref<10112x64xf32, #tpu.memory_space<vmem_shared>>)
      %scan3A_130 = arith.constant 0 : i32
      %scan3A_131 = arith.constant 0 : i32
      %scan3A_132 = arith.constant 64 : i32
      %scan3A_133 = arith.addi %scan3A_131, %scan3A_132 : i32
      %scan3A_134 = arith.constant 1 : i32
      scf.for %scan3A_186 = %scan3A_131 to %scan3A_133 step %scan3A_134  : i32 {
        %mul3A_187 = arith.constant 2 : i32
        %mul3A_188 = arith.muli %scan3A_186, %mul3A_187 : i32
        %add3A_189 = arith.constant 0 : i32
        %add3A_190 = arith.addi %mul3A_188, %add3A_189 : i32
        %mul3A_191 = arith.constant 2 : i32
        %mul3A_192 = arith.muli %scan3A_186, %mul3A_191 : i32
        %add3A_193 = arith.constant 0 : i32
        %add3A_194 = arith.addi %mul3A_192, %add3A_193 : i32
        %get3A = arith.index_cast %add3A_194 : i32 to index
        %get3A_195 = arith.constant 0 : index
        %get3A_196 = tpu.vector_load %arg9[%get3A, %get3A_195] {strides = array<i32>} : memref<128x64xbf16, #tpu.memory_space<vmem>>, vector<32xbf16>,
        %mul3A_197 = arith.constant 2 : i32
        %mul3A_198 = arith.muli %scan3A_186, %mul3A_197 : i32
        %add3A_199 = arith.constant 0 : i32
        %add3A_200 = arith.addi %mul3A_198, %add3A_199 : i32
        %mul3A_201 = arith.constant 2 : i32
        %mul3A_202 = arith.muli %scan3A_186, %mul3A_201 : i32
        %add3A_203 = arith.constant 0 : i32
        %add3A_204 = arith.addi %mul3A_202, %add3A_203 : i32
        %get3A_205 = arith.index_cast %add3A_204 : i32 to index
        %get3A_206 = arith.constant 32 : index
        %get3A_207 = tpu.vector_load %arg9[%get3A_205, %get3A_206] {strides = array<i32>} : memref<128x64xbf16, #tpu.memory_space<vmem>>, vector<32xbf16>,
        %mul3A_208 = arith.constant 2 : i32
        %mul3A_209 = arith.muli %scan3A_186, %mul3A_208 : i32
        %add3A_210 = arith.constant 1 : i32
        %add3A_211 = arith.addi %mul3A_209, %add3A_210 : i32
        %mul3A_212 = arith.constant 2 : i32
        %mul3A_213 = arith.muli %scan3A_186, %mul3A_212 : i32
        %add3A_214 = arith.constant 1 : i32
        %add3A_215 = arith.addi %mul3A_213, %add3A_214 : i32
        %get3A_216 = arith.index_cast %add3A_215 : i32 to index
        %get3A_217 = arith.constant 0 : index
        %get3A_218 = tpu.vector_load %arg9[%get3A_216, %get3A_217] {strides = array<i32>} : memref<128x64xbf16, #tpu.memory_space<vmem>>, vector<32xbf16>,
        %mul3A_219 = arith.constant 2 : i32
        %mul3A_220 = arith.muli %scan3A_186, %mul3A_219 : i32
        %add3A_221 = arith.constant 1 : i32
        %add3A_222 = arith.addi %mul3A_220, %add3A_221 : i32
        %mul3A_223 = arith.constant 2 : i32
        %mul3A_224 = arith.muli %scan3A_186, %mul3A_223 : i32
        %add3A_225 = arith.constant 1 : i32
        %add3A_226 = arith.addi %mul3A_224, %add3A_225 : i32
        %get3A_227 = arith.index_cast %add3A_226 : i32 to index
        %get3A_228 = arith.constant 32 : index
        %get3A_229 = tpu.vector_load %arg9[%get3A_227, %get3A_228] {strides = array<i32>} : memref<128x64xbf16, #tpu.memory_space<vmem>>, vector<32xbf16>,
        %unpack3A = tpu.unpack_subelements %get3A_196, 0 {pack_format = #tpu.pack_format<interleaved>} : vector<32xbf16> -> vector<16xf32>
        %unpack3A_230 = tpu.unpack_subelements %get3A_196, 1 {pack_format = #tpu.pack_format<interleaved>} : vector<32xbf16> -> vector<16xf32>
        %swap3A = arith.index_cast %add3A_190 : i32 to index
        %swap3A_231 = arith.constant 0 : index
        %swap3A_232 = tpu.vector_load %arg11[%swap3A, %swap3A_231] {strides = array<i32>} : memref<128x64xf32, #tpu.memory_space<vmem>>, vector<16xf32>,
        tpu.vector_store %arg11[%swap3A, %swap3A_231], %unpack3A {strides = array<i32>} : memref<128x64xf32, #tpu.memory_space<vmem>>, vector<16xf32>,
        %swap3A_233 = arith.index_cast %add3A_190 : i32 to index
        %swap3A_234 = arith.constant 16 : index
        %swap3A_235 = tpu.vector_load %arg11[%swap3A_233, %swap3A_234] {strides = array<i32>} : memref<128x64xf32, #tpu.memory_space<vmem>>, vector<16xf32>,
        tpu.vector_store %arg11[%swap3A_233, %swap3A_234], %unpack3A_230 {strides = array<i32>} : memref<128x64xf32, #tpu.memory_space<vmem>>, vector<16xf32>,
        %unpack3A_236 = tpu.unpack_subelements %get3A_207, 0 {pack_format = #tpu.pack_format<interleaved>} : vector<32xbf16> -> vector<16xf32>
        %unpack3A_237 = tpu.unpack_subelements %get3A_207, 1 {pack_format = #tpu.pack_format<interleaved>} : vector<32xbf16> -> vector<16xf32>
        %swap3A_238 = arith.index_cast %add3A_200 : i32 to index
        %swap3A_239 = arith.constant 32 : index
        %swap3A_240 = tpu.vector_load %arg11[%swap3A_238, %swap3A_239] {strides = array<i32>} : memref<128x64xf32, #tpu.memory_space<vmem>>, vector<16xf32>,
        tpu.vector_store %arg11[%swap3A_238, %swap3A_239], %unpack3A_236 {strides = array<i32>} : memref<128x64xf32, #tpu.memory_space<vmem>>, vector<16xf32>,
        %swap3A_241 = arith.index_cast %add3A_200 : i32 to index
        %swap3A_242 = arith.constant 48 : index
        %swap3A_243 = tpu.vector_load %arg11[%swap3A_241, %swap3A_242] {strides = array<i32>} : memref<128x64xf32, #tpu.memory_space<vmem>>, vector<16xf32>,
        tpu.vector_store %arg11[%swap3A_241, %swap3A_242], %unpack3A_237 {strides = array<i32>} : memref<128x64xf32, #tpu.memory_space<vmem>>, vector<16xf32>,
        %unpack3A_244 = tpu.unpack_subelements %get3A_218, 0 {pack_format = #tpu.pack_format<interleaved>} : vector<32xbf16> -> vector<16xf32>
        %unpack3A_245 = tpu.unpack_subelements %get3A_218, 1 {pack_format = #tpu.pack_format<interleaved>} : vector<32xbf16> -> vector<16xf32>
        %swap3A_246 = arith.index_cast %add3A_211 : i32 to index
        %swap3A_247 = arith.constant 0 : index
        %swap3A_248 = tpu.vector_load %arg11[%swap3A_246, %swap3A_247] {strides = array<i32>} : memref<128x64xf32, #tpu.memory_space<vmem>>, vector<16xf32>,
        tpu.vector_store %arg11[%swap3A_246, %swap3A_247], %unpack3A_244 {strides = array<i32>} : memref<128x64xf32, #tpu.memory_space<vmem>>, vector<16xf32>,
        %swap3A_249 = arith.index_cast %add3A_211 : i32 to index
        %swap3A_250 = arith.constant 16 : index
        %swap3A_251 = tpu.vector_load %arg11[%swap3A_249, %swap3A_250] {strides = array<i32>} : memref<128x64xf32, #tpu.memory_space<vmem>>, vector<16xf32>,
        tpu.vector_store %arg11[%swap3A_249, %swap3A_250], %unpack3A_245 {strides = array<i32>} : memref<128x64xf32, #tpu.memory_space<vmem>>, vector<16xf32>,
        %unpack3A_252 = tpu.unpack_subelements %get3A_229, 0 {pack_format = #tpu.pack_format<interleaved>} : vector<32xbf16> -> vector<16xf32>
        %unpack3A_253 = tpu.unpack_subelements %get3A_229, 1 {pack_format = #tpu.pack_format<interleaved>} : vector<32xbf16> -> vector<16xf32>
        %swap3A_254 = arith.index_cast %add3A_222 : i32 to index
        %swap3A_255 = arith.constant 32 : index
        %swap3A_256 = tpu.vector_load %arg11[%swap3A_254, %swap3A_255] {strides = array<i32>} : memref<128x64xf32, #tpu.memory_space<vmem>>, vector<16xf32>,
        tpu.vector_store %arg11[%swap3A_254, %swap3A_255], %unpack3A_252 {strides = array<i32>} : memref<128x64xf32, #tpu.memory_space<vmem>>, vector<16xf32>,
        %swap3A_257 = arith.index_cast %add3A_222 : i32 to index
        %swap3A_258 = arith.constant 48 : index
        %swap3A_259 = tpu.vector_load %arg11[%swap3A_257, %swap3A_258] {strides = array<i32>} : memref<128x64xf32, #tpu.memory_space<vmem>>, vector<16xf32>,
        tpu.vector_store %arg11[%swap3A_257, %swap3A_258], %unpack3A_253 {strides = array<i32>} : memref<128x64xf32, #tpu.memory_space<vmem>>, vector<16xf32>,
      }
      %scan3A_135 = arith.constant 64 : i32
      %add3A_136 = arith.constant 2 : i32
      %add3A_137 = arith.addi %add3A_117, %add3A_136 : i32
      %dma_start3A_138 = arith.constant 0 : i32
      %dma_start3A_139 = tpu.memref_slice %arg7[%add3A_137, %dma_start3A_138] : memref<168x128xi32, #tpu.memory_space<vmem>> -> memref<1x128xi32, #tpu.memory_space<vmem>>
      %dma_start3A_140 = tpu.memref_squeeze %dma_start3A_139 : memref<1x128xi32, #tpu.memory_space<vmem>> -> memref<128xi32, #tpu.memory_space<vmem>>
      %dma_start3A_141 = arith.constant 0 : i32
      %dma_start3A_142 = arith.constant 0 : i32
      %dma_start3A_143 = tpu.memref_slice %arg2[%dma_start3A_141, %dma_start3A_142] : memref<20000x64xbf16, #tpu.memory_space<hbm>> -> memref<20000x64xbf16, #tpu.memory_space<hbm>>
      tpu.enqueue_indirect_dma source(%dma_start3A_143 : memref<20000x64xbf16, #tpu.memory_space<hbm>>) target(%arg9 : memref<128x64xbf16, #tpu.memory_space<vmem>>) offsets(%dma_start3A_140 : memref<128xi32, #tpu.memory_space<vmem>>) semaphore(%arg14 : memref<!tpu.dma_semaphore, #tpu.memory_space<semaphore_mem>>)
      %dma_start3A_144 = arith.constant 0 : i32
      %dma_start3A_145 = tpu.memref_slice %arg8[%add3A_117, %dma_start3A_144] : memref<160x128xi32, #tpu.memory_space<vmem>> -> memref<1x128xi32, #tpu.memory_space<vmem>>
      %dma_start3A_146 = tpu.memref_squeeze %dma_start3A_145 : memref<1x128xi32, #tpu.memory_space<vmem>> -> memref<128xi32, #tpu.memory_space<vmem>>
      %dma_start3A_147 = arith.constant 0 : i32
      %dma_start3A_148 = arith.constant 0 : i32
      %dma_start3A_149 = tpu.memref_slice %arg13[%dma_start3A_147, %dma_start3A_148] : memref<10112x64xf32, #tpu.memory_space<vmem_shared>> -> memref<10112x64xf32, #tpu.memory_space<vmem_shared>>
      tpu.enqueue_indirect_dma source(%arg11 : memref<128x64xf32, #tpu.memory_space<vmem>>) target(%dma_start3A_149 : memref<10112x64xf32, #tpu.memory_space<vmem_shared>>) offsets(%dma_start3A_146 : memref<128xi32, #tpu.memory_space<vmem>>) semaphore(%arg16 : memref<!tpu.dma_semaphore, #tpu.memory_space<semaphore_mem>>) {add = true}
      %mul3A_150 = arith.constant 2 : i32
      %mul3A_151 = arith.muli %mul3A_150, %scan3A_113 : i32
      %add3A_152 = arith.constant 1 : i32
      %add3A_153 = arith.addi %mul3A_151, %add3A_152 : i32
      %dma_wait3A_154 = arith.constant 0 : i32
      %dma_wait3A_155 = tpu.memref_slice %arg7[%add3A_153, %dma_wait3A_154] : memref<168x128xi32, #tpu.memory_space<vmem>> -> memref<1x128xi32, #tpu.memory_space<vmem>>
      %dma_wait3A_156 = tpu.memref_squeeze %dma_wait3A_155 : memref<1x128xi32, #tpu.memory_space<vmem>> -> memref<128xi32, #tpu.memory_space<vmem>>
      %dma_wait3A_157 = arith.constant 0 : i32
      %dma_wait3A_158 = arith.constant 0 : i32
      %dma_wait3A_159 = tpu.memref_slice %arg2[%dma_wait3A_157, %dma_wait3A_158] : memref<20000x64xbf16, #tpu.memory_space<hbm>> -> memref<20000x64xbf16, #tpu.memory_space<hbm>>
      tpu.wait_indirect_dma semaphore(%arg15 : memref<!tpu.dma_semaphore, #tpu.memory_space<semaphore_mem>>) src(%dma_wait3A_159 : memref<20000x64xbf16, #tpu.memory_space<hbm>>) dst(%arg10 : memref<128x64xbf16, #tpu.memory_space<vmem>>)
      %dma_wait3A_160 = arith.constant 0 : i32
      %dma_wait3A_161 = tpu.memref_slice %arg8[%add3A_153, %dma_wait3A_160] : memref<160x128xi32, #tpu.memory_space<vmem>> -> memref<1x128xi32, #tpu.memory_space<vmem>>
      %dma_wait3A_162 = tpu.memref_squeeze %dma_wait3A_161 : memref<1x128xi32, #tpu.memory_space<vmem>> -> memref<128xi32, #tpu.memory_space<vmem>>
      %dma_wait3A_163 = arith.constant 0 : i32
      %dma_wait3A_164 = arith.constant 0 : i32
      %dma_wait3A_165 = tpu.memref_slice %arg13[%dma_wait3A_163, %dma_wait3A_164] : memref<10112x64xf32, #tpu.memory_space<vmem_shared>> -> memref<10112x64xf32, #tpu.memory_space<vmem_shared>>
      tpu.wait_indirect_dma semaphore(%arg17 : memref<!tpu.dma_semaphore, #tpu.memory_space<semaphore_mem>>) src(%arg12 : memref<128x64xf32, #tpu.memory_space<vmem>>) dst(%dma_wait3A_165 : memref<10112x64xf32, #tpu.memory_space<vmem_shared>>)
      %scan3A_166 = arith.constant 0 : i32
      %scan3A_167 = arith.constant 0 : i32
      %scan3A_168 = arith.constant 64 : i32
      %scan3A_169 = arith.addi %scan3A_167, %scan3A_168 : i32
      %scan3A_170 = arith.constant 1 : i32
      scf.for %scan3A_186 = %scan3A_167 to %scan3A_169 step %scan3A_170  : i32 {
        %mul3A_187 = arith.constant 2 : i32
        %mul3A_188 = arith.muli %scan3A_186, %mul3A_187 : i32
        %add3A_189 = arith.constant 0 : i32
        %add3A_190 = arith.addi %mul3A_188, %add3A_189 : i32
        %mul3A_191 = arith.constant 2 : i32
        %mul3A_192 = arith.muli %scan3A_186, %mul3A_191 : i32
        %add3A_193 = arith.constant 0 : i32
        %add3A_194 = arith.addi %mul3A_192, %add3A_193 : i32
        %get3A = arith.index_cast %add3A_194 : i32 to index
        %get3A_195 = arith.constant 0 : index
        %get3A_196 = tpu.vector_load %arg10[%get3A, %get3A_195] {strides = array<i32>} : memref<128x64xbf16, #tpu.memory_space<vmem>>, vector<32xbf16>,
        %mul3A_197 = arith.constant 2 : i32
        %mul3A_198 = arith.muli %scan3A_186, %mul3A_197 : i32
        %add3A_199 = arith.constant 0 : i32
        %add3A_200 = arith.addi %mul3A_198, %add3A_199 : i32
        %mul3A_201 = arith.constant 2 : i32
        %mul3A_202 = arith.muli %scan3A_186, %mul3A_201 : i32
        %add3A_203 = arith.constant 0 : i32
        %add3A_204 = arith.addi %mul3A_202, %add3A_203 : i32
        %get3A_205 = arith.index_cast %add3A_204 : i32 to index
        %get3A_206 = arith.constant 32 : index
        %get3A_207 = tpu.vector_load %arg10[%get3A_205, %get3A_206] {strides = array<i32>} : memref<128x64xbf16, #tpu.memory_space<vmem>>, vector<32xbf16>,
        %mul3A_208 = arith.constant 2 : i32
        %mul3A_209 = arith.muli %scan3A_186, %mul3A_208 : i32
        %add3A_210 = arith.constant 1 : i32
        %add3A_211 = arith.addi %mul3A_209, %add3A_210 : i32
        %mul3A_212 = arith.constant 2 : i32
        %mul3A_213 = arith.muli %scan3A_186, %mul3A_212 : i32
        %add3A_214 = arith.constant 1 : i32
        %add3A_215 = arith.addi %mul3A_213, %add3A_214 : i32
        %get3A_216 = arith.index_cast %add3A_215 : i32 to index
        %get3A_217 = arith.constant 0 : index
        %get3A_218 = tpu.vector_load %arg10[%get3A_216, %get3A_217] {strides = array<i32>} : memref<128x64xbf16, #tpu.memory_space<vmem>>, vector<32xbf16>,
        %mul3A_219 = arith.constant 2 : i32
        %mul3A_220 = arith.muli %scan3A_186, %mul3A_219 : i32
        %add3A_221 = arith.constant 1 : i32
        %add3A_222 = arith.addi %mul3A_220, %add3A_221 : i32
        %mul3A_223 = arith.constant 2 : i32
        %mul3A_224 = arith.muli %scan3A_186, %mul3A_223 : i32
        %add3A_225 = arith.constant 1 : i32
        %add3A_226 = arith.addi %mul3A_224, %add3A_225 : i32
        %get3A_227 = arith.index_cast %add3A_226 : i32 to index
        %get3A_228 = arith.constant 32 : index
        %get3A_229 = tpu.vector_load %arg10[%get3A_227, %get3A_228] {strides = array<i32>} : memref<128x64xbf16, #tpu.memory_space<vmem>>, vector<32xbf16>,
        %unpack3A = tpu.unpack_subelements %get3A_196, 0 {pack_format = #tpu.pack_format<interleaved>} : vector<32xbf16> -> vector<16xf32>
        %unpack3A_230 = tpu.unpack_subelements %get3A_196, 1 {pack_format = #tpu.pack_format<interleaved>} : vector<32xbf16> -> vector<16xf32>
        %swap3A = arith.index_cast %add3A_190 : i32 to index
        %swap3A_231 = arith.constant 0 : index
        %swap3A_232 = tpu.vector_load %arg12[%swap3A, %swap3A_231] {strides = array<i32>} : memref<128x64xf32, #tpu.memory_space<vmem>>, vector<16xf32>,
        tpu.vector_store %arg12[%swap3A, %swap3A_231], %unpack3A {strides = array<i32>} : memref<128x64xf32, #tpu.memory_space<vmem>>, vector<16xf32>,
        %swap3A_233 = arith.index_cast %add3A_190 : i32 to index
        %swap3A_234 = arith.constant 16 : index
        %swap3A_235 = tpu.vector_load %arg12[%swap3A_233, %swap3A_234] {strides = array<i32>} : memref<128x64xf32, #tpu.memory_space<vmem>>, vector<16xf32>,
        tpu.vector_store %arg12[%swap3A_233, %swap3A_234], %unpack3A_230 {strides = array<i32>} : memref<128x64xf32, #tpu.memory_space<vmem>>, vector<16xf32>,
        %unpack3A_236 = tpu.unpack_subelements %get3A_207, 0 {pack_format = #tpu.pack_format<interleaved>} : vector<32xbf16> -> vector<16xf32>
        %unpack3A_237 = tpu.unpack_subelements %get3A_207, 1 {pack_format = #tpu.pack_format<interleaved>} : vector<32xbf16> -> vector<16xf32>
        %swap3A_238 = arith.index_cast %add3A_200 : i32 to index
        %swap3A_239 = arith.constant 32 : index
        %swap3A_240 = tpu.vector_load %arg12[%swap3A_238, %swap3A_239] {strides = array<i32>} : memref<128x64xf32, #tpu.memory_space<vmem>>, vector<16xf32>,
        tpu.vector_store %arg12[%swap3A_238, %swap3A_239], %unpack3A_236 {strides = array<i32>} : memref<128x64xf32, #tpu.memory_space<vmem>>, vector<16xf32>,
        %swap3A_241 = arith.index_cast %add3A_200 : i32 to index
        %swap3A_242 = arith.constant 48 : index
        %swap3A_243 = tpu.vector_load %arg12[%swap3A_241, %swap3A_242] {strides = array<i32>} : memref<128x64xf32, #tpu.memory_space<vmem>>, vector<16xf32>,
        tpu.vector_store %arg12[%swap3A_241, %swap3A_242], %unpack3A_237 {strides = array<i32>} : memref<128x64xf32, #tpu.memory_space<vmem>>, vector<16xf32>,
        %unpack3A_244 = tpu.unpack_subelements %get3A_218, 0 {pack_format = #tpu.pack_format<interleaved>} : vector<32xbf16> -> vector<16xf32>
        %unpack3A_245 = tpu.unpack_subelements %get3A_218, 1 {pack_format = #tpu.pack_format<interleaved>} : vector<32xbf16> -> vector<16xf32>
        %swap3A_246 = arith.index_cast %add3A_211 : i32 to index
        %swap3A_247 = arith.constant 0 : index
        %swap3A_248 = tpu.vector_load %arg12[%swap3A_246, %swap3A_247] {strides = array<i32>} : memref<128x64xf32, #tpu.memory_space<vmem>>, vector<16xf32>,
        tpu.vector_store %arg12[%swap3A_246, %swap3A_247], %unpack3A_244 {strides = array<i32>} : memref<128x64xf32, #tpu.memory_space<vmem>>, vector<16xf32>,
        %swap3A_249 = arith.index_cast %add3A_211 : i32 to index
        %swap3A_250 = arith.constant 16 : index
        %swap3A_251 = tpu.vector_load %arg12[%swap3A_249, %swap3A_250] {strides = array<i32>} : memref<128x64xf32, #tpu.memory_space<vmem>>, vector<16xf32>,
        tpu.vector_store %arg12[%swap3A_249, %swap3A_250], %unpack3A_245 {strides = array<i32>} : memref<128x64xf32, #tpu.memory_space<vmem>>, vector<16xf32>,
        %unpack3A_252 = tpu.unpack_subelements %get3A_229, 0 {pack_format = #tpu.pack_format<interleaved>} : vector<32xbf16> -> vector<16xf32>
        %unpack3A_253 = tpu.unpack_subelements %get3A_229, 1 {pack_format = #tpu.pack_format<interleaved>} : vector<32xbf16> -> vector<16xf32>
        %swap3A_254 = arith.index_cast %add3A_222 : i32 to index
        %swap3A_255 = arith.constant 32 : index
        %swap3A_256 = tpu.vector_load %arg12[%swap3A_254, %swap3A_255] {strides = array<i32>} : memref<128x64xf32, #tpu.memory_space<vmem>>, vector<16xf32>,
        tpu.vector_store %arg12[%swap3A_254, %swap3A_255], %unpack3A_252 {strides = array<i32>} : memref<128x64xf32, #tpu.memory_space<vmem>>, vector<16xf32>,
        %swap3A_257 = arith.index_cast %add3A_222 : i32 to index
        %swap3A_258 = arith.constant 48 : index
        %swap3A_259 = tpu.vector_load %arg12[%swap3A_257, %swap3A_258] {strides = array<i32>} : memref<128x64xf32, #tpu.memory_space<vmem>>, vector<16xf32>,
        tpu.vector_store %arg12[%swap3A_257, %swap3A_258], %unpack3A_253 {strides = array<i32>} : memref<128x64xf32, #tpu.memory_space<vmem>>, vector<16xf32>,
      }
      %scan3A_171 = arith.constant 64 : i32
      %add3A_172 = arith.constant 2 : i32
      %add3A_173 = arith.addi %add3A_153, %add3A_172 : i32
      %dma_start3A_174 = arith.constant 0 : i32
      %dma_start3A_175 = tpu.memref_slice %arg7[%add3A_173, %dma_start3A_174] : memref<168x128xi32, #tpu.memory_space<vmem>> -> memref<1x128xi32, #tpu.memory_space<vmem>>
      %dma_start3A_176 = tpu.memref_squeeze %dma_start3A_175 : memref<1x128xi32, #tpu.memory_space<vmem>> -> memref<128xi32, #tpu.memory_space<vmem>>
      %dma_start3A_177 = arith.constant 0 : i32
      %dma_start3A_178 = arith.constant 0 : i32
      %dma_start3A_179 = tpu.memref_slice %arg2[%dma_start3A_177, %dma_start3A_178] : memref<20000x64xbf16, #tpu.memory_space<hbm>> -> memref<20000x64xbf16, #tpu.memory_space<hbm>>
      tpu.enqueue_indirect_dma source(%dma_start3A_179 : memref<20000x64xbf16, #tpu.memory_space<hbm>>) target(%arg10 : memref<128x64xbf16, #tpu.memory_space<vmem>>) offsets(%dma_start3A_176 : memref<128xi32, #tpu.memory_space<vmem>>) semaphore(%arg15 : memref<!tpu.dma_semaphore, #tpu.memory_space<semaphore_mem>>)
      %dma_start3A_180 = arith.constant 0 : i32
      %dma_start3A_181 = tpu.memref_slice %arg8[%add3A_153, %dma_start3A_180] : memref<160x128xi32, #tpu.memory_space<vmem>> -> memref<1x128xi32, #tpu.memory_space<vmem>>
      %dma_start3A_182 = tpu.memref_squeeze %dma_start3A_181 : memref<1x128xi32, #tpu.memory_space<vmem>> -> memref<128xi32, #tpu.memory_space<vmem>>
      %dma_start3A_183 = arith.constant 0 : i32
      %dma_start3A_184 = arith.constant 0 : i32
      %dma_start3A_185 = tpu.memref_slice %arg13[%dma_start3A_183, %dma_start3A_184] : memref<10112x64xf32, #tpu.memory_space<vmem_shared>> -> memref<10112x64xf32, #tpu.memory_space<vmem_shared>>
      tpu.enqueue_indirect_dma source(%arg12 : memref<128x64xf32, #tpu.memory_space<vmem>>) target(%dma_start3A_185 : memref<10112x64xf32, #tpu.memory_space<vmem_shared>>) offsets(%dma_start3A_182 : memref<128xi32, #tpu.memory_space<vmem>>) semaphore(%arg17 : memref<!tpu.dma_semaphore, #tpu.memory_space<semaphore_mem>>) {add = true}
    }
    %scan3A_77 = arith.constant 79 : i32
    %dma_wait3A_78 = arith.constant 158 : i32
    %dma_wait3A_79 = arith.constant 0 : i32
    %dma_wait3A_80 = tpu.memref_slice %arg8[%dma_wait3A_78, %dma_wait3A_79] : memref<160x128xi32, #tpu.memory_space<vmem>> -> memref<1x128xi32, #tpu.memory_space<vmem>>
    %dma_wait3A_81 = tpu.memref_squeeze %dma_wait3A_80 : memref<1x128xi32, #tpu.memory_space<vmem>> -> memref<128xi32, #tpu.memory_space<vmem>>
    %dma_wait3A_82 = arith.constant 0 : i32
    %dma_wait3A_83 = arith.constant 0 : i32
    %dma_wait3A_84 = tpu.memref_slice %arg13[%dma_wait3A_82, %dma_wait3A_83] : memref<10112x64xf32, #tpu.memory_space<vmem_shared>> -> memref<10112x64xf32, #tpu.memory_space<vmem_shared>>
    tpu.wait_indirect_dma semaphore(%arg16 : memref<!tpu.dma_semaphore, #tpu.memory_space<semaphore_mem>>) src(%arg11 : memref<128x64xf32, #tpu.memory_space<vmem>>) dst(%dma_wait3A_84 : memref<10112x64xf32, #tpu.memory_space<vmem_shared>>)
    %dma_wait3A_85 = arith.constant 160 : i32
    %dma_wait3A_86 = arith.constant 0 : i32
    %dma_wait3A_87 = tpu.memref_slice %arg7[%dma_wait3A_85, %dma_wait3A_86] : memref<168x128xi32, #tpu.memory_space<vmem>> -> memref<1x128xi32, #tpu.memory_space<vmem>>
    %dma_wait3A_88 = tpu.memref_squeeze %dma_wait3A_87 : memref<1x128xi32, #tpu.memory_space<vmem>> -> memref<128xi32, #tpu.memory_space<vmem>>
    %dma_wait3A_89 = arith.constant 0 : i32
    %dma_wait3A_90 = arith.constant 0 : i32
    %dma_wait3A_91 = tpu.memref_slice %arg2[%dma_wait3A_89, %dma_wait3A_90] : memref<20000x64xbf16, #tpu.memory_space<hbm>> -> memref<20000x64xbf16, #tpu.memory_space<hbm>>
    tpu.wait_indirect_dma semaphore(%arg14 : memref<!tpu.dma_semaphore, #tpu.memory_space<semaphore_mem>>) src(%dma_wait3A_91 : memref<20000x64xbf16, #tpu.memory_space<hbm>>) dst(%arg9 : memref<128x64xbf16, #tpu.memory_space<vmem>>)
    %dma_wait3A_92 = arith.constant 159 : i32
    %dma_wait3A_93 = arith.constant 0 : i32
    %dma_wait3A_94 = tpu.memref_slice %arg8[%dma_wait3A_92, %dma_wait3A_93] : memref<160x128xi32, #tpu.memory_space<vmem>> -> memref<1x128xi32, #tpu.memory_space<vmem>>
    %dma_wait3A_95 = tpu.memref_squeeze %dma_wait3A_94 : memref<1x128xi32, #tpu.memory_space<vmem>> -> memref<128xi32, #tpu.memory_space<vmem>>
    %dma_wait3A_96 = arith.constant 0 : i32
    %dma_wait3A_97 = arith.constant 0 : i32
    %dma_wait3A_98 = tpu.memref_slice %arg13[%dma_wait3A_96, %dma_wait3A_97] : memref<10112x64xf32, #tpu.memory_space<vmem_shared>> -> memref<10112x64xf32, #tpu.memory_space<vmem_shared>>
    tpu.wait_indirect_dma semaphore(%arg17 : memref<!tpu.dma_semaphore, #tpu.memory_space<semaphore_mem>>) src(%arg12 : memref<128x64xf32, #tpu.memory_space<vmem>>) dst(%dma_wait3A_98 : memref<10112x64xf32, #tpu.memory_space<vmem_shared>>)
    %dma_wait3A_99 = arith.constant 161 : i32
    %dma_wait3A_100 = arith.constant 0 : i32
    %dma_wait3A_101 = tpu.memref_slice %arg7[%dma_wait3A_99, %dma_wait3A_100] : memref<168x128xi32, #tpu.memory_space<vmem>> -> memref<1x128xi32, #tpu.memory_space<vmem>>
    %dma_wait3A_102 = tpu.memref_squeeze %dma_wait3A_101 : memref<1x128xi32, #tpu.memory_space<vmem>> -> memref<128xi32, #tpu.memory_space<vmem>>
    %dma_wait3A_103 = arith.constant 0 : i32
    %dma_wait3A_104 = arith.constant 0 : i32
    %dma_wait3A_105 = tpu.memref_slice %arg2[%dma_wait3A_103, %dma_wait3A_104] : memref<20000x64xbf16, #tpu.memory_space<hbm>> -> memref<20000x64xbf16, #tpu.memory_space<hbm>>
    tpu.wait_indirect_dma semaphore(%arg15 : memref<!tpu.dma_semaphore, #tpu.memory_space<semaphore_mem>>) src(%dma_wait3A_105 : memref<20000x64xbf16, #tpu.memory_space<hbm>>) dst(%arg10 : memref<128x64xbf16, #tpu.memory_space<vmem>>)
    %barrier3A_106 = arith.constant 0 : index
    tpu.barrier barrier_id(%barrier3A_106)
    %mul3A_107 = arith.constant 632 : i32
    %mul3A_108 = arith.muli %arg1, %mul3A_107 : i32
    %mul3A_109 = arith.constant 632 : i32
    %mul3A_110 = arith.muli %arg1, %mul3A_109 : i32
    %mul3A_111 = arith.constant 64 : i32
    %mul3A_112 = arith.muli %arg0, %mul3A_111 : i32
    "tpu.region"() ({
      %run_scoped3A = tpu.sem_alloc : memref<!tpu.dma_semaphore, #tpu.memory_space<semaphore_mem>>
      %dma_start3A_113 = tpu.memref_slice %arg6[%mul3A_110, %mul3A_112] : memref<10112x128xf32, #tpu.memory_space<hbm>> -> memref<632x64xf32, #tpu.memory_space<hbm>>
      %dma_start3A_114 = arith.constant 0 : i32
      %dma_start3A_115 = tpu.memref_slice %arg13[%mul3A_108, %dma_start3A_114] : memref<10112x64xf32, #tpu.memory_space<vmem_shared>> -> memref<632x64xf32, #tpu.memory_space<vmem_shared>>
      tpu.enqueue_dma source(%dma_start3A_115 : memref<632x64xf32, #tpu.memory_space<vmem_shared>>) target(%dma_start3A_113 : memref<632x64xf32, #tpu.memory_space<hbm>>) target_semaphore(%run_scoped3A : memref<!tpu.dma_semaphore, #tpu.memory_space<semaphore_mem>>)
      %dma_wait3A_116 = tpu.memref_slice %arg6[%mul3A_110, %mul3A_112] : memref<10112x128xf32, #tpu.memory_space<hbm>> -> memref<632x64xf32, #tpu.memory_space<hbm>>
      %dma_wait3A_117 = arith.constant 0 : i32
      %dma_wait3A_118 = tpu.memref_slice %arg13[%mul3A_108, %dma_wait3A_117] : memref<10112x64xf32, #tpu.memory_space<vmem_shared>> -> memref<632x64xf32, #tpu.memory_space<vmem_shared>>
      tpu.wait_dma2 semaphore(%run_scoped3A : memref<!tpu.dma_semaphore, #tpu.memory_space<semaphore_mem>>) src(%dma_wait3A_118 : memref<632x64xf32, #tpu.memory_space<vmem_shared>>) dst(%dma_wait3A_116 : memref<632x64xf32, #tpu.memory_space<hbm>>)
      tpu.yield
    }) : () -> ()
    return
  }
}

module attributes {stable_mosaic.version = 14 : i64} {
  func.func @_stats_body(%arg0: i32, %arg1: memref<1xf32, #tpu.memory_space<smem>>, %arg2: memref<2000x128xf32, #tpu.memory_space<vmem>>, %arg3: memref<2000x128xf32, #tpu.memory_space<vmem>>, %arg4: memref<2000x128xf32, #tpu.memory_space<vmem>>, %arg5: memref<1x128xf32, #tpu.memory_space<vmem>>, %arg6: memref<1x128xf32, #tpu.memory_space<vmem>>) attributes {dimension_semantics = [#tpu.dimension_semantics<arbitrary>], iteration_bounds = array<i64: 5>, scalar_prefetch = 0 : i64, scratch_operands = 0 : i64, tpu.core_type = #tpu.core_type<tc>, window_params = [{transform_indices = @transform_0, window_bounds = array<i64: 1>}, {transform_indices = @transform_1, window_bounds = array<i64: 2000, 128>}, {transform_indices = @transform_2, window_bounds = array<i64: 2000, 128>}, {transform_indices = @transform_3, window_bounds = array<i64: 2000, 128>}, {pipeline_mode = #tpu.pipeline_mode<synchronous>, transform_indices = @transform_4, window_bounds = array<i64: 1, 128>}, {pipeline_mode = #tpu.pipeline_mode<synchronous>, transform_indices = @transform_5, window_bounds = array<i64: 1, 128>}]} {
    %get3A = arith.constant 0 : index
    %get3A_0 = memref.load %arg1[%get3A] : memref<1xf32, #tpu.memory_space<smem>>
    %add3A = arith.constant 1.000000e+00 : f32
    %add3A_1 = arith.addf %add3A, %get3A_0 : f32
    %get3A_2 = arith.constant 0 : index
    %get3A_3 = arith.constant 0 : index
    %get3A_4 = vector.load %arg2[%get3A_2, %get3A_3] : memref<2000x128xf32, #tpu.memory_space<vmem>>, vector<2000x128xf32>
    %mul3A = vector.broadcast %add3A_1 : f32 to vector<2000x128xf32>
    %mul3A_5 = arith.mulf %mul3A, %get3A_4 : vector<2000x128xf32>
    %get3A_6 = arith.constant 0 : index
    %get3A_7 = arith.constant 0 : index
    %get3A_8 = vector.load %arg3[%get3A_6, %get3A_7] : memref<2000x128xf32, #tpu.memory_space<vmem>>, vector<2000x128xf32>
    %add3A_9 = arith.addf %mul3A_5, %get3A_8 : vector<2000x128xf32>
    %swap3A = arith.constant 0 : index
    %swap3A_10 = arith.constant 0 : index
    %swap3A_11 = vector.load %arg4[%swap3A, %swap3A_10] : memref<2000x128xf32, #tpu.memory_space<vmem>>, vector<2000x128xf32>
    tpu.vector_store %arg4[%swap3A, %swap3A_10], %add3A_9 {strides = array<i32>} : memref<2000x128xf32, #tpu.memory_space<vmem>>, vector<2000x128xf32>,
    %reduce_sum3A = arith.constant dense<0.000000e+00> : vector<128xf32>
    %reduce_sum3A_12 = vector.multi_reduction <add>, %add3A_9, %reduce_sum3A [0] : vector<2000x128xf32> to vector<128xf32>
    %broadcast_in_dim3A = vector.shape_cast %reduce_sum3A_12 : vector<128xf32> to vector<1x128xf32>
    %mul3A_13 = arith.mulf %add3A_9, %add3A_9 : vector<2000x128xf32>
    %reduce_sum3A_14 = arith.constant dense<0.000000e+00> : vector<128xf32>
    %reduce_sum3A_15 = vector.multi_reduction <add>, %mul3A_13, %reduce_sum3A_14 [0] : vector<2000x128xf32> to vector<128xf32>
    %broadcast_in_dim3A_16 = vector.shape_cast %reduce_sum3A_15 : vector<128xf32> to vector<1x128xf32>
    %eq3A = arith.constant 0 : i32
    %eq3A_17 = arith.cmpi eq, %arg0, %eq3A : i32
    %convert_element_type3A = arith.extui %eq3A_17 : i1 to i32
    %cond3A = arith.constant 0 : i32
    %cond3A_18 = arith.cmpi ne, %convert_element_type3A, %cond3A : i32
    scf.if %cond3A_18 {
      %swap3A_23 = arith.constant 0 : index
      %swap3A_24 = arith.constant 0 : index
      %swap3A_25 = vector.load %arg5[%swap3A_23, %swap3A_24] : memref<1x128xf32, #tpu.memory_space<vmem>>, vector<1x128xf32>
      tpu.vector_store %arg5[%swap3A_23, %swap3A_24], %broadcast_in_dim3A {strides = array<i32>} : memref<1x128xf32, #tpu.memory_space<vmem>>, vector<1x128xf32>,
      %swap3A_26 = arith.constant 0 : index
      %swap3A_27 = arith.constant 0 : index
      %swap3A_28 = vector.load %arg6[%swap3A_26, %swap3A_27] : memref<1x128xf32, #tpu.memory_space<vmem>>, vector<1x128xf32>
      tpu.vector_store %arg6[%swap3A_26, %swap3A_27], %broadcast_in_dim3A_16 {strides = array<i32>} : memref<1x128xf32, #tpu.memory_space<vmem>>, vector<1x128xf32>,
    } else {
    }
    %gt3A = arith.constant 0 : i32
    %gt3A_19 = arith.cmpi sgt, %arg0, %gt3A : i32
    %convert_element_type3A_20 = arith.extui %gt3A_19 : i1 to i32
    %cond3A_21 = arith.constant 0 : i32
    %cond3A_22 = arith.cmpi ne, %convert_element_type3A_20, %cond3A_21 : i32
    scf.if %cond3A_22 {
      %get3A_23 = arith.constant 0 : index
      %get3A_24 = arith.constant 0 : index
      %get3A_25 = vector.load %arg5[%get3A_23, %get3A_24] : memref<1x128xf32, #tpu.memory_space<vmem>>, vector<1x128xf32>
      %add3A_26 = arith.addf %get3A_25, %broadcast_in_dim3A : vector<1x128xf32>
      %swap3A_27 = arith.constant 0 : index
      %swap3A_28 = arith.constant 0 : index
      %swap3A_29 = vector.load %arg5[%swap3A_27, %swap3A_28] : memref<1x128xf32, #tpu.memory_space<vmem>>, vector<1x128xf32>
      tpu.vector_store %arg5[%swap3A_27, %swap3A_28], %add3A_26 {strides = array<i32>} : memref<1x128xf32, #tpu.memory_space<vmem>>, vector<1x128xf32>,
      %get3A_30 = arith.constant 0 : index
      %get3A_31 = arith.constant 0 : index
      %get3A_32 = vector.load %arg6[%get3A_30, %get3A_31] : memref<1x128xf32, #tpu.memory_space<vmem>>, vector<1x128xf32>
      %add3A_33 = arith.addf %get3A_32, %broadcast_in_dim3A_16 : vector<1x128xf32>
      %swap3A_34 = arith.constant 0 : index
      %swap3A_35 = arith.constant 0 : index
      %swap3A_36 = vector.load %arg6[%swap3A_34, %swap3A_35] : memref<1x128xf32, #tpu.memory_space<vmem>>, vector<1x128xf32>
      tpu.vector_store %arg6[%swap3A_34, %swap3A_35], %add3A_33 {strides = array<i32>} : memref<1x128xf32, #tpu.memory_space<vmem>>, vector<1x128xf32>,
    } else {
    }
    return
  }
  func.func @transform_0(%arg0: i32) -> i32 {
    %c0_i32 = arith.constant 0 : i32
    %c0_i32_0 = arith.constant 0 : i32
    return %c0_i32 : i32
  }
  func.func @transform_1(%arg0: i32) -> (i32, i32) {
    %c0_i32 = arith.constant 0 : i32
    %c0_i32_0 = arith.constant 0 : i32
    return %arg0, %c0_i32 : i32, i32
  }
  func.func @transform_2(%arg0: i32) -> (i32, i32) {
    %c0_i32 = arith.constant 0 : i32
    %c0_i32_0 = arith.constant 0 : i32
    return %arg0, %c0_i32 : i32, i32
  }
  func.func @transform_3(%arg0: i32) -> (i32, i32) {
    %c0_i32 = arith.constant 0 : i32
    %c0_i32_0 = arith.constant 0 : i32
    return %arg0, %c0_i32 : i32, i32
  }
  func.func @transform_4(%arg0: i32) -> (i32, i32) {
    %c0_i32 = arith.constant 0 : i32
    %c0_i32_0 = arith.constant 0 : i32
    %c0_i32_1 = arith.constant 0 : i32
    return %c0_i32, %c0_i32_0 : i32, i32
  }
  func.func @transform_5(%arg0: i32) -> (i32, i32) {
    %c0_i32 = arith.constant 0 : i32
    %c0_i32_0 = arith.constant 0 : i32
    %c0_i32_1 = arith.constant 0 : i32
    return %c0_i32, %c0_i32_0 : i32, i32
  }
}

module attributes {stable_mosaic.version = 14 : i64} {
  func.func @_apply_body(%arg0: i32, %arg1: memref<1x128xf32, #tpu.memory_space<vmem>>, %arg2: memref<1x128xf32, #tpu.memory_space<vmem>>, %arg3: memref<1x128xf32, #tpu.memory_space<vmem>>, %arg4: memref<1x128xf32, #tpu.memory_space<vmem>>, %arg5: memref<2000x128xf32, #tpu.memory_space<vmem>>, %arg6: memref<2000x128xf32, #tpu.memory_space<vmem>>) attributes {dimension_semantics = [#tpu.dimension_semantics<arbitrary>], iteration_bounds = array<i64: 5>, scalar_prefetch = 0 : i64, scratch_operands = 0 : i64, tpu.core_type = #tpu.core_type<tc>, window_params = [{pipeline_mode = #tpu.pipeline_mode<synchronous>, transform_indices = @transform_0, window_bounds = array<i64: 1, 128>}, {pipeline_mode = #tpu.pipeline_mode<synchronous>, transform_indices = @transform_1, window_bounds = array<i64: 1, 128>}, {pipeline_mode = #tpu.pipeline_mode<synchronous>, transform_indices = @transform_2, window_bounds = array<i64: 1, 128>}, {pipeline_mode = #tpu.pipeline_mode<synchronous>, transform_indices = @transform_3, window_bounds = array<i64: 1, 128>}, {transform_indices = @transform_4, window_bounds = array<i64: 2000, 128>}, {transform_indices = @transform_5, window_bounds = array<i64: 2000, 128>}]} {
    %get3A = arith.constant 0 : index
    %get3A_0 = arith.constant 0 : index
    %get3A_1 = vector.load %arg1[%get3A, %get3A_0] : memref<1x128xf32, #tpu.memory_space<vmem>>, vector<1x128xf32>
    %mul3A = arith.constant 9.99999974E-5 : f32
    %mul3A_2 = vector.broadcast %mul3A : f32 to vector<1x128xf32>
    %mul3A_3 = arith.mulf %get3A_1, %mul3A_2 : vector<1x128xf32>
    %get3A_4 = arith.constant 0 : index
    %get3A_5 = arith.constant 0 : index
    %get3A_6 = vector.load %arg2[%get3A_4, %get3A_5] : memref<1x128xf32, #tpu.memory_space<vmem>>, vector<1x128xf32>
    %mul3A_7 = arith.constant 9.99999974E-5 : f32
    %mul3A_8 = vector.broadcast %mul3A_7 : f32 to vector<1x128xf32>
    %mul3A_9 = arith.mulf %get3A_6, %mul3A_8 : vector<1x128xf32>
    %mul3A_10 = arith.mulf %mul3A_3, %mul3A_3 : vector<1x128xf32>
    %sub3A = arith.subf %mul3A_9, %mul3A_10 : vector<1x128xf32>
    %add3A = arith.constant 9.99999974E-6 : f32
    %add3A_11 = vector.broadcast %add3A : f32 to vector<1x128xf32>
    %add3A_12 = arith.addf %sub3A, %add3A_11 : vector<1x128xf32>
    %rsqrt3A = math.rsqrt %add3A_12 : vector<1x128xf32>
    %get3A_13 = arith.constant 0 : index
    %get3A_14 = arith.constant 0 : index
    %get3A_15 = vector.load %arg3[%get3A_13, %get3A_14] : memref<1x128xf32, #tpu.memory_space<vmem>>, vector<1x128xf32>
    %mul3A_16 = arith.mulf %rsqrt3A, %get3A_15 : vector<1x128xf32>
    %get3A_17 = arith.constant 0 : index
    %get3A_18 = arith.constant 0 : index
    %get3A_19 = vector.load %arg5[%get3A_17, %get3A_18] : memref<2000x128xf32, #tpu.memory_space<vmem>>, vector<2000x128xf32>
    %sub3A_20 = vector.broadcast %mul3A_3 : vector<1x128xf32> to vector<2000x128xf32>
    %sub3A_21 = arith.subf %get3A_19, %sub3A_20 : vector<2000x128xf32>
    %mul3A_22 = vector.broadcast %mul3A_16 : vector<1x128xf32> to vector<2000x128xf32>
    %mul3A_23 = arith.mulf %sub3A_21, %mul3A_22 : vector<2000x128xf32>
    %get3A_24 = arith.constant 0 : index
    %get3A_25 = arith.constant 0 : index
    %get3A_26 = vector.load %arg4[%get3A_24, %get3A_25] : memref<1x128xf32, #tpu.memory_space<vmem>>, vector<1x128xf32>
    %add3A_27 = vector.broadcast %get3A_26 : vector<1x128xf32> to vector<2000x128xf32>
    %add3A_28 = arith.addf %mul3A_23, %add3A_27 : vector<2000x128xf32>
    %max3A = arith.constant 0.000000e+00 : f32
    %max3A_29 = vector.broadcast %max3A : f32 to vector<2000x128xf32>
    %max3A_30 = arith.maximumf %add3A_28, %max3A_29 : vector<2000x128xf32>
    %swap3A = arith.constant 0 : index
    %swap3A_31 = arith.constant 0 : index
    %swap3A_32 = vector.load %arg6[%swap3A, %swap3A_31] : memref<2000x128xf32, #tpu.memory_space<vmem>>, vector<2000x128xf32>
    tpu.vector_store %arg6[%swap3A, %swap3A_31], %max3A_30 {strides = array<i32>} : memref<2000x128xf32, #tpu.memory_space<vmem>>, vector<2000x128xf32>,
    return
  }
  func.func @transform_0(%arg0: i32) -> (i32, i32) {
    %c0_i32 = arith.constant 0 : i32
    %c0_i32_0 = arith.constant 0 : i32
    %c0_i32_1 = arith.constant 0 : i32
    return %c0_i32, %c0_i32_0 : i32, i32
  }
  func.func @transform_1(%arg0: i32) -> (i32, i32) {
    %c0_i32 = arith.constant 0 : i32
    %c0_i32_0 = arith.constant 0 : i32
    %c0_i32_1 = arith.constant 0 : i32
    return %c0_i32, %c0_i32_0 : i32, i32
  }
  func.func @transform_2(%arg0: i32) -> (i32, i32) {
    %c0_i32 = arith.constant 0 : i32
    %c0_i32_0 = arith.constant 0 : i32
    %c0_i32_1 = arith.constant 0 : i32
    return %c0_i32, %c0_i32_0 : i32, i32
  }
  func.func @transform_3(%arg0: i32) -> (i32, i32) {
    %c0_i32 = arith.constant 0 : i32
    %c0_i32_0 = arith.constant 0 : i32
    %c0_i32_1 = arith.constant 0 : i32
    return %c0_i32, %c0_i32_0 : i32, i32
  }
  func.func @transform_4(%arg0: i32) -> (i32, i32) {
    %c0_i32 = arith.constant 0 : i32
    %c0_i32_0 = arith.constant 0 : i32
    return %arg0, %c0_i32 : i32, i32
  }
  func.func @transform_5(%arg0: i32) -> (i32, i32) {
    %c0_i32 = arith.constant 0 : i32
    %c0_i32_0 = arith.constant 0 : i32
    return %arg0, %c0_i32 : i32, i32
  }
}

</mosaic_0001>

<sc_bundles>
// kernel: kernel.5.cloned.1.call-start
scs
__scs_entry_jumppad:
0x0: {  	(pc) =	sbr.rel $0x88, $3  }
0x1: {  	(tag) =	ssettag $0x0;
	lr =	simm.s32 $0x1  }
0x2: {  	[smem:$0x3F9C] =	sst lr;
	_ =	strace $0xD0000000  }
0x3: {  	_ = 	snop  }
0x4: {  	_ = 	snop  }
0x5: {  	_ = 	snop  }
0x6: {  	_ = 	snop  }
0x7: {  	_ = 	snop  }
__scs_overlays_trampoline_lowered:
0x8: {  	[smem:$0x3FAB] =	sst s0  }
0x9: {  	[smem:$0x3FAC] =	sst s1  }
0xa: {  	[smem:$0x3FAD] =	sst s2  }
0xb: {  	[smem:$0x3FAE] =	sst s3  }
0xc: {  	[smem:$0x3FAF] =	sst s4  }
0xd: {  	[smem:$0x3FB0] =	sst s5  }
0xe: {  	[smem:$0x3FB1] =	sst s6  }
0xf: {  	[smem:$0x3FB2] =	sst s7  }
0x10: {  	[smem:$0x3FB3] =	sst s8  }
0x11: {  	[smem:$0x3FB4] =	sst s9;
	s0 =	simm.s32 @!p0 $0x0  }
0x12: {  	s1 =	sld [smem:$0x3F9A];
	s0 =	simm.s32 @p0 $0x1  }
0x13: {  	[smem:$0x3FB5] =	sst s0;
	s0 =	simm.s32 @!p1 $0x0  }
0x14: {  	s2 =	sld [smem:$0x3F99];
	s0 =	simm.s32 @p1 $0x1  }
0x15: {  	[smem:$0x3FB6] =	sst s0;
	s0 =	simm.s32 @!p2 $0x0  }
0x16: {  	s3 =	sld [smem:$0x3FDB];
	s0 =	simm.s32 @p2 $0x1  }
0x17: {  	s4 =	simm.s32 $0x1BF5;
	[smem:$0x3FB8] =	sst s0  }
0x18: {  	s0 =	sld [smem:$0x3F9B];
	_ =	swait.ge [sflag:s4], $0x0  }
0x19: {  	s7 =	sld [smem:$0x3F9C]  }
0x1a: {  	s8 =	sadd.s32 $0xFFFFE003, lr  }
0x1b: {  	s9 =	sadd.s32 $0xFFFFFEF7, lr;
	s5 =	simm.s32 $0xFFFFFFFF;
	p2 =	slt.u32 s8, $0xFFFFF086  }
0x1c: {  	p1 =	slt.u32 s9, $0xF7A;
	s5 =	simm.s32 @!p2 $0x0  }
0x1d: {  	s5 =	simm.s32 @p1 $0x1;
	p0 =	seq.s32 s7, s2  }
0x1e: {  	s7 =	smul.u32 @!p0 $0xF7A, s2;
	p2 =	seq.s32 @!p0 s5, $0x0  }
0x1f: {  	s9 =	smul.u32 $0xF7A, s1;
	s8 =	simm.s32 @!p0 $0x1BF5;
	p2 =	por !p2, p0  }
0x20: {  	[sflag:s8] =	ssyncset.s32 @!p0 $0xFFFFF086;
	s6 =	sadd.s32 @!p0 s3, s7;
	s7 =	simm.s32 @!p0 $0x108  }
0x21: {  	s3 =	sadd.s32 s3, s9;
	s6 =	sadd.s32 @!p0 $0x88, s6;
	s7 =	simm.s32 @p2 $0x1082  }
0x22: {  	[simem:s7], [sflag:s8] =	dma.local @!p0 [hbm:s6], $0xF7A  }
0x23: {  	s9 =	sor.u32 $0xD0000000, s2;
	s6 =	simm.s32 $0x108;
	_ =	swait.ge @!p0 [sflag:s8], $0x0  }
0x24: {  	s3 =	sadd.s32 $0x88, s3;
	s6 =	simm.s32 @!p1 $0x1082;
	[sflag:s4] =	ssyncset.s32 $0xFFFFF086  }
0x25: {  	[simem:s6], [sflag:s4] =	dma.local [hbm:s3], $0xF7A  }
0x26: {  	[smem:$0x3F9C] =	sst s1;
	(tag) =	ssettag s2;
	_ =	strace s9  }
0x27: {  	s1 =	sld [smem:$0x3FAC]  }
0x28: {  	s2 =	sld [smem:$0x3FAD]  }
0x29: {  	s4 =	sld [smem:$0x3FAF]  }
0x2a: {  	p0 =	seq.s32 s5, $0x0;
	s5 =	sld [smem:$0x3FB0]  }
0x2b: {  	s6 =	sld [smem:$0x3FB1]  }
0x2c: {  	s7 =	sld [smem:$0x3FB2]  }
0x2d: {  	s3 =	simm.s32 $0x108;
	s8 =	sld [smem:$0x3FB3]  }
0x2e: {  	s3 =	simm.s32 @!p0 $0x1082;
	s9 =	sld [smem:$0x3FB4]  }
0x2f: {  	lr =	sadd.s32 s0, s3;
	s0 =	sld [smem:$0x3FAB]  }
0x30: {  	s3 =	sld [smem:$0x3FAE]  }
0x31: {  	[smem:$0x3FB7] =	sst s10  }
0x32: {  	s10 =	sld [smem:$0x3FB5];
	_ =	sdelay $0x3  }
0x33: {  	p0 =	seq.s32 s10, $0x1;
	s10 =	sld [smem:$0x3FB7];
	_ =	sdelay $0x3  }
0x34: {  	[smem:$0x3FB7] =	sst s10  }
0x35: {  	s10 =	sld [smem:$0x3FB6];
	_ =	sdelay $0x3  }
0x36: {  	p1 =	seq.s32 s10, $0x1;
	s10 =	sld [smem:$0x3FB7];
	_ =	sdelay $0x3  }
0x37: {  	[smem:$0x3FB7] =	sst s10  }
0x38: {  	s10 =	sld [smem:$0x3FB8]  }
0x39: {  	_ = 	snop;
	(pc) =	sbr.ind lr, $3  }
0x3a: {  	_ = 	snop  }
0x3b: {  	_ = 	snop  }
0x3c: {  	p2 =	seq.s32 s10, $0x1;
	s10 =	sld [smem:$0x3FB7]  }
0x3d: {  	_ =	shalt  }
0x3e: {  	_ =	shalt  }
0x3f: {  	_ =	shalt  }
0x40: {  	_ =	shalt  }
0x41: {  	_ =	shalt  }
0x42: {  	_ =	shalt  }
0x43: {  	_ =	shalt  }
0x44: {  	_ =	shalt  }
0x45: {  	_ =	shalt  }
0x46: {  	_ =	shalt  }
0x47: {  	_ =	shalt  }
0x48: {  	_ =	shalt  }
0x49: {  	_ =	shalt  }
0x4a: {  	_ =	shalt  }
0x4b: {  	_ =	shalt  }
0x4c: {  	_ =	shalt  }
0x4d: {  	_ =	shalt  }
0x4e: {  	_ =	shalt  }
0x4f: {  	_ =	shalt  }
0x50: {  	_ =	shalt  }
0x51: {  	_ =	shalt  }
0x52: {  	_ =	shalt  }
0x53: {  	_ =	shalt  }
0x54: {  	_ =	shalt  }
0x55: {  	_ =	shalt  }
0x56: {  	_ =	shalt  }
0x57: {  	_ =	shalt  }
0x58: {  	_ =	shalt  }
0x59: {  	_ =	shalt  }
0x5a: {  	_ =	shalt  }
0x5b: {  	_ =	shalt  }
0x5c: {  	_ =	shalt  }
0x5d: {  	_ =	shalt  }
0x5e: {  	_ =	shalt  }
0x5f: {  	_ =	shalt  }
0x60: {  	_ =	shalt  }
0x61: {  	_ =	shalt  }
0x62: {  	_ =	shalt  }
0x63: {  	_ =	shalt  }
0x64: {  	_ =	shalt  }
0x65: {  	_ =	shalt  }
0x66: {  	_ =	shalt  }
0x67: {  	_ =	shalt  }
0x68: {  	_ =	shalt  }
0x69: {  	_ =	shalt  }
0x6a: {  	_ =	shalt  }
0x6b: {  	_ =	shalt  }
0x6c: {  	_ =	shalt  }
0x6d: {  	_ =	shalt  }
0x6e: {  	_ =	shalt  }
0x6f: {  	_ =	shalt  }
0x70: {  	_ =	shalt  }
0x71: {  	_ =	shalt  }
0x72: {  	_ =	shalt  }
0x73: {  	_ =	shalt  }
0x74: {  	_ =	shalt  }
0x75: {  	_ =	shalt  }
0x76: {  	_ =	shalt  }
0x77: {  	_ =	shalt  }
0x78: {  	_ =	shalt  }
0x79: {  	_ =	shalt  }
0x7a: {  	_ =	shalt  }
0x7b: {  	_ =	shalt  }
0x7c: {  	_ =	shalt  }
0x7d: {  	_ =	shalt  }
0x7e: {  	_ =	shalt  }
0x7f: {  	_ =	shalt  }
0x80: {  	_ =	shalt  }
0x81: {  	_ =	shalt  }
0x82: {  	_ =	shalt  }
0x83: {  	_ =	shalt  }
0x84: {  	_ =	shalt  }
0x85: {  	_ =	shalt  }
0x86: {  	_ =	shalt  }
0x87: {  	_ =	shalt  }
.Lfunc_end0:
.L_simem_size_0:
called_computation_lowered:
.L_overlay_start_0:
0x88: {  	s2 =	sld [smem:$0x3FD9]  }
0x89: {  	s3 =	sld [smem:$0x3FFE];
	_ =	sdelay $0x1  }
0x8a: {  	s1 =	srdreg.scid  }
0x8b: {  	s0 =	sand.u32 $0x1, s1  }
0x8c: {  	s17 =	sshll.u32 s0, $0xA;
	s2 =	sadd.s32 s3, s2  }
0x8d: {  	s2 =	sadd.s32 s2, s17  }
0x8e: {  	[smem:$0x3FC3] =	sst s2  }
0x8f: {  	_ = 	snop  }
0x90: {  	s2 =	sld [smem:$0x3FD0];
	(tm) =	ssettm $0x1  }
0x91: {  	s18 =	sld [smem:$0x3FFB];
	_ =	sdelay $0x3  }
0x92: {  	_ =	strace s18  }
0x93: {  	s3 =	sld [smem:$0x3FFC];
	_ =	sdelay $0x3  }
0x94: {  	_ =	strace s3  }
0x95: {  	s3 =	sld [smem:$0x3FFD];
	_ =	sdelay $0x3  }
0x96: {  	_ =	strace s3  }
0x97: {  	_ =	strace $0x8FFFFFFF  }
0x98: {  	s19 =	sld [smem:$0x3FDB];
	_ =	sdelay $0x1  }
0x99: {  	s4 =	simm.s32 $_scs_section_size  }
0x9a: {  	s5 =	simm.s32 $_size__tile_overlayer_lowered;
	s6 =	simm.s32 $_tile_overlayer_lowered  }
0x9b: {  	s22 =	simm.s32 $0x1BFF;
	s21 =	sshll.u32 s6, $0x1;
	s3 =	sadd.s32 s4, s19  }
0x9c: {  	s7 =	simm.s32 $0x0;
	s20 =	sshll.u32 s5, $0x1;
	s5 =	sadd.s32 s21, s3  }
0x9d: {  	[timem:s7], [sflag:s22] =	dma.local [hbm:s5], s20  }
0x9e: {  	_ =	swait.ge [sflag:s22], s20  }
0x9f: {  	s4 =	ssub.s32 $0x0, s20;
	[sflag:s22] =	ssyncset.done $0x0  }
0xa0: {  	[sflag:s22] =	ssyncadd.s32 s4;
	_ =	sdelay $0x1  }
0xa1: {  	s23 =	simm.s32 $0x1B8B  }
0xa2: {  	_ =	swait.ge [sflag:s23], $0x1  }
0xa3: {  	[sflag:s23] =	ssyncset.done $0x0  }
0xa4: {  	s25 =	simm.s32 $0x1B8E;
	s24 =	sld [smem:$0x3FFE];
	[sflag:s23] =	ssyncadd.s32 $0xFFFFFFFF  }
0xa5: {  	s26 =	simm.s32 $execute0_lowered;
	[smem:$0x3FD2] =	sst s25  }
0xa6: {  	s5 =	sshll.u32 s26, $0x1;
	_ =	strace $0x80000046;
	[dreg:$0x1] =	wrdreg $0xFFFFFFFF  }
0xa7: {  	s28 =	simm.s32 $_size_execute0_lowered;
	s3 =	sadd.s32 s3, s5;
	[dreg:$0x0] =	wrdreg $0x0  }
0xa8: {  	s5 =	sshll.u32 s28, $0x1;
	[dreg:$0x2] =	wrdreg s3  }
0xa9: {  	[dreg:$0x3] =	wrdreg s5  }
0xaa: {  	[dreg:$0x4] =	wrdreg $0xC0  }
0xab: {  	_ =	task [dreg:s7], $0x5FFFF  }
0xac: {  	[dreg:$0x1] =	wrdreg $0xFFFFFFFF  }
0xad: {  	[dreg:$0x0] =	wrdreg $0x60  }
0xae: {  	[dreg:$0x2] =	wrdreg s24  }
0xaf: {  	[dreg:$0x3] =	wrdreg s2  }
0xb0: {  	[dreg:$0x4] =	wrdreg $0x104000  }
0xb1: {  	[dreg:$0x5] =	wrdreg $0x9  }
0xb2: {  	_ =	task.clear_ibuf [dreg:s7], $0x6FFFF;
	_ =	strace $0x90000046  }
0xb3: {  	s29 =	simm.s32 $0x9;
	_ =	strace $0x80000048  }
0xb4: {  	_ =	swait.ge [sflag:s29], $0x1  }
0xb5: {  	[sflag:s29] =	ssyncadd.s32 $0xFFFFFFFF  }
0xb6: {  	_ =	strace $0x90000048  }
0xb7: {  	_ =	sfence  }
0xb8: {  	s30 =	sld [smem:$0x0];
	_ =	sdelay $0x2  }
0xb9: {  	s31 =	sshll.u32 s1, $0xD;
	s1 =	sshrl.u32 s1, $0x2  }
0xba: {  	s3 =	sand.u32 $0x4000, s31;
	s1 =	sadd.s32 s1, s30  }
0xbb: {  	s0 =	sor.u32 s3, s0;
	s1 =	sshll.u32 s1, $0x11  }
0xbc: {  	s0 =	sor.u32 s1, s0  }
0xbd: {  	s0 =	sadd.s32 $0x8F2B, s0  }
0xbe: {  	[sflag:s0] =	ssyncadd.remote.s32 $0x1  }
0xbf: {  	_ =	sfence.sel $0xFFFF  }
0xc0: {  	[dreg:$0x0] =	wrdreg $0xFFFFFFFF;
	(pc) =	sbr.abs _section_cstart, $3  }
0xc1: {  	[dreg:$0x1] =	wrdreg $0xFFFFFFFF  }
0xc2: {  	_ =	task.clear_ibuf [dreg:s7], $0x2FFFF;
	_ =	strace $0x9FFFFFFF  }
0xc3: {  	(tm) =	ssettm $0x7FFFFFFF  }
tec
execute0_lowered:
.L_overlay_start_1:
0x0: {  	(tag) =	ssettag $0x1  }
0x1: {  	s0 =	rddreg [dreg:$0x0]  }
0x2: {  	s1 =	rddreg [dreg:$0x1]  }
0x3: {  	s2 =	rddreg [dreg:$0x2]  }
0x4: {  	s3 =	simm.s32 $0x0;
	s13 =	stileid.u32;
	s4 =	srdreg.scid  }
0x5: {  	s14 =	simm.s32 $0x80;
	s15 =	simm.s32 $0xA400;
	s16 =	simm.s32 $0xB400  }
0x6: {  	s17 =	simm.s32 $0x1;
	s19 =	simm.s32 $0xC400;
	s20 =	simm.s32 $0x2  }
0x7: {  	s22 =	simm.s32 $0x5480;
	s23 =	simm.s32 $0xE400;
	s28 =	simm.s32 $0x8  }
0x8: {  	s29 =	simm.s32 $0x0;
	[smem:$0x7FF] =	sst s3;
	s6 =	smul.u32 $0xA00, s13  }
0x9: {  	s5 =	sand.u32 $0x1, s4;
	s7 =	smul.u32 $0x13C00, s13;
	s4 =	sadd.s32 $0x1000, s0  }
0xa: {  	s10 =	smul.u32 $0x27800, s13;
	s26 =	sshll.u32 s13, $0x6;
	s13 =	simm.s32 $0x5400  }
0xb: {  	_ =	strace $0x80000047;
	s9 =	sshll.u32 s5, $0x6;
	s24 =	ssub.s32 $0x2, s5  }
0xc: {  	s12 =	smul.u32 $0xA080, s5;
	s5 =	sadd.s32 $0x1EC00, s0;
	s8 =	sadd.s32 s6, s0  }
0xd: {  	s7 =	sor.u32 s9, s7;
	s11 =	sshrl.u32 s24, $0x1;
	s25 =	sshrl.u32 s10, $0x2  }
0xe: {  	s7 =	sshrl.u32 s7, $0x3;
	s11 =	ssub.s32 s24, s11;
	s30 =	sadd.s32 s6, s12  }
0xf: {  	s31 =	sadd.s32 s25, s2;
	s6 =	sor.u32 $0x1C05, s26;
	s8 =	sadd.s32 $0x14A00, s8  }
0x10: {  	s12 =	simm.s32 $0x5;
	s24 =	simm.s32 $0x3;
	s25 =	simm.s32 $0x4  }
0x11: {  	s26 =	simm.s32 $0x10;
	s0 =	sadd.s32 s7, s0;
	s7 =	sadd.s32 s1, s30  }
0x12: {  	s10 =	smax.u32 s11, $0x1;
	s11 =	sshrl.u32 s31, $0x3;
	s9 =	sadd.s32 $0x20000, s0  }
.LBB2_1:
0x13: {  	[spmem:s11], [sflag:s6] =	dma.local [hbm:s5], $0x13C0  }
0x14: {  	_ =	swait.ge [sflag:s12], $0x13C0  }
0x15: {  	[sflag:s12] =	ssyncset.done $0x0  }
0x16: {  	[sflag:s12] =	ssyncadd.s32 $0xFFFFEC40  }
0x17: {  	[tilespmem:s3], [sflag:$0x5] =	stream.linear.gather [hbm4b:s7+s3], $0x5400, $0x38;
	[tilespmem:$0x1A200] =	vst v63  }
0x18: {  	_ =	swait.ge [sflag:s12], $0x5400  }
0x19: {  	[sflag:s12] =	ssyncset.done $0x0  }
0x1a: {  	[sflag:s12] =	ssyncadd.s32 $0xFFFFAC00  }
0x1b: {  	[tilespmem:s13], [sflag:$0x5] =	stream.linear.gather [hbm4b:s8+s3], $0x5000, $0x38;
	[tilespmem:$0x1A200] =	vst v63  }
0x1c: {  	_ =	swait.ge [sflag:s12], $0x5000  }
0x1d: {  	[sflag:s12] =	ssyncset.done $0x0  }
0x1e: {  	[sflag:s12] =	ssyncadd.s32 $0xFFFFB000  }
0x1f: {  	[tilespmem:s15], [sflag:$0x1] =	stream.indirect.gather [hbm4b:s4+s14], $0x20, s3, s14, $0xb8;
	[tilespmem:$0x1A200] =	vst v63  }
0x20: {  	_ = 	snop  }
0x21: {  	[tilespmem:s16], [sflag:$0x2] =	stream.indirect.gather [hbm4b:s4+s14], $0x20, s14, s14, $0xb8;
	[tilespmem:$0x1A200] =	vst v63  }
0x22: {  	[bflag:$0x0] =	sbarrier.arrive $0xFFFF  }
0x23: {  	_ =	swait.ge [sflag:s17], $0x1000  }
0x24: {  	[sflag:s17] =	ssyncset.done $0x0  }
0x25: {  	s1 =	simm.s32 $0x0;
	[sflag:s17] =	ssyncadd.s32 $0xFFFFF000  }
0x26: {  	v3 =	vld [tilespmem:s1+$0xA430];
	_ =	sdelay $0x1  }
0x27: {  	v2 =	vld [tilespmem:s1+$0xA420]  }
0x28: {  	v0 =	vld [tilespmem:s1+$0xA410]  }
0x29: {  	v1 =	vld [tilespmem:s1+$0xA400]  }
0x2a: {  	s0 =	simm.s32 $0xC440;
	s30 =	simm.s32 $0x100;
	s1 =	simm.s32 $0xC440;
	v4 =	vunpack.i.u.bf16.f32 v3;
	v3 =	vunpack.i.l.bf16.f32 v3  }
.LBB2_2:
0x2b: {  	p0 =	sne.s32 s30, $0x3F00  }
0x2c: {  	v5 =	vunpack.i.u.bf16.f32 v2;
	v2 =	vunpack.i.l.bf16.f32 v2;
	[tilespmem:s0+$0x30] =	vst v4;
	s1 =	sadd.s32 $0x80, s1;
	s18 =	smov.u32 s30;
	s30 =	sadd.s32 $0x100, s30  }
0x2d: {  	v4 =	vunpack.i.u.bf16.f32 v0;
	[tilespmem:s0+$0x20] =	vst v3  }
0x2e: {  	v0 =	vunpack.i.l.bf16.f32 v0;
	v3 =	vunpack.i.u.bf16.f32 v1;
	v1 =	vunpack.i.l.bf16.f32 v1;
	[tilespmem:s0+$0x0] =	vst v2  }
0x2f: {  	[tilespmem:s0+$0x10] =	vst v5  }
0x30: {  	[tilespmem:s0+$0xFFFFFFF0] =	vst v4  }
0x31: {  	[tilespmem:s0+$0xFFFFFFC0] =	vst v1  }
0x32: {  	[tilespmem:s0+$0xFFFFFFE0] =	vst v0  }
0x33: {  	s18 =	sshra.s32 s18, $0x2;
	[tilespmem:s0+$0xFFFFFFD0] =	vst v3;
	s0 =	smov.u32 s1  }
0x34: {  	v3 =	vld [tilespmem:s18+$0xA430]  }
.Ltmp0:
0x35: {  	v2 =	vld [tilespmem:s18+$0xA420];
	(pc) =	sbr.rel @p0 .LBB2_2-.Ltmp0, $3  }
0x36: {  	v0 =	vld [tilespmem:s18+$0xA410]  }
0x37: {  	v1 =	vld [tilespmem:s18+$0xA400];
	_ =	sdelay $0x1  }
0x38: {  	v4 =	vunpack.i.u.bf16.f32 v3;
	v3 =	vunpack.i.l.bf16.f32 v3  }
0x39: {  	[tilespmem:s0+$0x30] =	vst v4  }
0x3a: {  	v4 =	vunpack.i.l.bf16.f32 v2;
	[tilespmem:s0+$0x20] =	vst v3  }
0x3b: {  	v2 =	vunpack.i.u.bf16.f32 v2;
	[tilespmem:s0+$0x0] =	vst v4  }
0x3c: {  	v3 =	vunpack.i.u.bf16.f32 v0;
	[tilespmem:s0+$0x10] =	vst v2  }
0x3d: {  	v0 =	vunpack.i.l.bf16.f32 v0;
	[tilespmem:s0+$0xFFFFFFF0] =	vst v3  }
0x3e: {  	v2 =	vunpack.i.l.bf16.f32 v1;
	[tilespmem:s0+$0xFFFFFFE0] =	vst v0  }
0x3f: {  	v1 =	vunpack.i.u.bf16.f32 v1;
	[tilespmem:s0+$0xFFFFFFC0] =	vst v2  }
0x40: {  	s31 =	simm.s32 $0x100;
	[tilespmem:s0+$0xFFFFFFD0] =	vst v1  }
0x41: {  	[tilespmem:s15], [sflag:$0x1] =	stream.indirect.gather [hbm4b:s4+s14], $0x20, s31, s14, $0xb8;
	[tilespmem:$0x1A200] =	vst v63  }
0x42: {  	_ = 	snop  }
0x43: {  	[spmem:s2] =	stream.indirect.scatter.add.f32 [tilespmem:s19], [sflag:$0x3], $0x40, s13, s14, $0xb8;
	[tilespmem:$0x1A200] =	vst v63  }
0x44: {  	_ =	swait.ge [sflag:s20], $0x1000  }
0x45: {  	[sflag:s20] =	ssyncset.done $0x0  }
0x46: {  	s1 =	simm.s32 $0x0;
	[sflag:s20] =	ssyncadd.s32 $0xFFFFF000  }
0x47: {  	v3 =	vld [tilespmem:s1+$0xB430];
	_ =	sdelay $0x1  }
0x48: {  	v2 =	vld [tilespmem:s1+$0xB420]  }
0x49: {  	v0 =	vld [tilespmem:s1+$0xB410]  }
0x4a: {  	v1 =	vld [tilespmem:s1+$0xB400]  }
0x4b: {  	s30 =	simm.s32 $0x100;
	s0 =	simm.s32 $0xE440;
	s1 =	simm.s32 $0xE440;
	v4 =	vunpack.i.u.bf16.f32 v3;
	v3 =	vunpack.i.l.bf16.f32 v3  }
.LBB2_4:
0x4c: {  	p0 =	sne.s32 s30, $0x3F00  }
0x4d: {  	v5 =	vunpack.i.u.bf16.f32 v2;
	v2 =	vunpack.i.l.bf16.f32 v2;
	[tilespmem:s0+$0x30] =	vst v4;
	s1 =	sadd.s32 $0x80, s1;
	s18 =	smov.u32 s30;
	s30 =	sadd.s32 $0x100, s30  }
0x4e: {  	v4 =	vunpack.i.u.bf16.f32 v0;
	[tilespmem:s0+$0x20] =	vst v3  }
0x4f: {  	v0 =	vunpack.i.l.bf16.f32 v0;
	v3 =	vunpack.i.u.bf16.f32 v1;
	v1 =	vunpack.i.l.bf16.f32 v1;
	[tilespmem:s0+$0x0] =	vst v2  }
0x50: {  	[tilespmem:s0+$0x10] =	vst v5  }
0x51: {  	[tilespmem:s0+$0xFFFFFFF0] =	vst v4  }
0x52: {  	[tilespmem:s0+$0xFFFFFFC0] =	vst v1  }
0x53: {  	[tilespmem:s0+$0xFFFFFFE0] =	vst v0  }
0x54: {  	s18 =	sshra.s32 s18, $0x2;
	[tilespmem:s0+$0xFFFFFFD0] =	vst v3;
	s0 =	smov.u32 s1  }
0x55: {  	v3 =	vld [tilespmem:s18+$0xB430]  }
.Ltmp1:
0x56: {  	v2 =	vld [tilespmem:s18+$0xB420];
	(pc) =	sbr.rel @p0 .LBB2_4-.Ltmp1, $3  }
0x57: {  	v0 =	vld [tilespmem:s18+$0xB410]  }
0x58: {  	v1 =	vld [tilespmem:s18+$0xB400];
	_ =	sdelay $0x1  }
0x59: {  	v4 =	vunpack.i.u.bf16.f32 v3;
	v3 =	vunpack.i.l.bf16.f32 v3  }
0x5a: {  	[tilespmem:s0+$0x30] =	vst v4  }
0x5b: {  	v58 =	vunpack.i.l.bf16.f32 v2;
	[tilespmem:s0+$0x20] =	vst v3  }
0x5c: {  	v59 =	vunpack.i.u.bf16.f32 v2;
	[tilespmem:s0+$0x0] =	vst v58  }
0x5d: {  	v60 =	vunpack.i.u.bf16.f32 v0;
	[tilespmem:s0+$0x10] =	vst v59  }
0x5e: {  	v62 =	vunpack.i.l.bf16.f32 v0;
	[tilespmem:s0+$0xFFFFFFF0] =	vst v60  }
0x5f: {  	v61 =	vunpack.i.l.bf16.f32 v1;
	[tilespmem:s0+$0xFFFFFFE0] =	vst v62  }
0x60: {  	v63 =	vunpack.i.u.bf16.f32 v1;
	[tilespmem:s0+$0xFFFFFFC0] =	vst v61  }
0x61: {  	s31 =	simm.s32 $0x180;
	[tilespmem:s0+$0xFFFFFFD0] =	vst v63  }
0x62: {  	[tilespmem:s16], [sflag:$0x2] =	stream.indirect.gather [hbm4b:s4+s14], $0x20, s31, s14, $0xb8;
	[tilespmem:$0x1A200] =	vst v63  }
0x63: {  	s30 =	simm.s32 $0x1  }
0x64: {  	[spmem:s2] =	stream.indirect.scatter.add.f32 [tilespmem:s23], [sflag:$0x4], $0x40, s22, s14, $0xb8;
	[tilespmem:$0x1A200] =	vst v63  }
.LBB2_6:
0x65: {  	_ =	swait.ge [sflag:s17], $0x1000  }
0x66: {  	[sflag:s17] =	ssyncset.done $0x0  }
0x67: {  	[sflag:s17] =	ssyncadd.s32 $0xFFFFF000  }
0x68: {  	_ =	swait.ge [sflag:s24], $0x2000  }
0x69: {  	[sflag:s24] =	ssyncset.done $0x0  }
0x6a: {  	s1 =	simm.s32 $0x0;
	[sflag:s24] =	ssyncadd.s32 $0xFFFFE000  }
0x6b: {  	v3 =	vld [tilespmem:s1+$0xA430];
	_ =	sdelay $0x1  }
0x6c: {  	v2 =	vld [tilespmem:s1+$0xA420]  }
0x6d: {  	v0 =	vld [tilespmem:s1+$0xA410]  }
0x6e: {  	v1 =	vld [tilespmem:s1+$0xA400]  }
0x6f: {  	s0 =	simm.s32 $0xC440;
	s31 =	simm.s32 $0x100;
	s1 =	simm.s32 $0xC440;
	v4 =	vunpack.i.u.bf16.f32 v3;
	v3 =	vunpack.i.l.bf16.f32 v3  }
.LBB2_7:
0x70: {  	p0 =	sne.s32 s31, $0x3F00  }
0x71: {  	v5 =	vunpack.i.u.bf16.f32 v2;
	v2 =	vunpack.i.l.bf16.f32 v2;
	[tilespmem:s0+$0x30] =	vst v4;
	s1 =	sadd.s32 $0x80, s1;
	s18 =	smov.u32 s31;
	s31 =	sadd.s32 $0x100, s31  }
0x72: {  	v4 =	vunpack.i.u.bf16.f32 v0;
	[tilespmem:s0+$0x20] =	vst v3  }
0x73: {  	v0 =	vunpack.i.l.bf16.f32 v0;
	v3 =	vunpack.i.u.bf16.f32 v1;
	v1 =	vunpack.i.l.bf16.f32 v1;
	[tilespmem:s0+$0x0] =	vst v2  }
0x74: {  	[tilespmem:s0+$0x10] =	vst v5  }
0x75: {  	[tilespmem:s0+$0xFFFFFFF0] =	vst v4  }
0x76: {  	[tilespmem:s0+$0xFFFFFFC0] =	vst v1  }
0x77: {  	[tilespmem:s0+$0xFFFFFFE0] =	vst v0  }
0x78: {  	s18 =	sshra.s32 s18, $0x2;
	[tilespmem:s0+$0xFFFFFFD0] =	vst v3;
	s0 =	smov.u32 s1  }
0x79: {  	v3 =	vld [tilespmem:s18+$0xA430]  }
.Ltmp2:
0x7a: {  	v2 =	vld [tilespmem:s18+$0xA420];
	(pc) =	sbr.rel @p0 .LBB2_7-.Ltmp2, $3  }
0x7b: {  	v0 =	vld [tilespmem:s18+$0xA410]  }
0x7c: {  	v1 =	vld [tilespmem:s18+$0xA400];
	_ =	sdelay $0x1  }
0x7d: {  	v4 =	vunpack.i.u.bf16.f32 v3;
	v3 =	vunpack.i.l.bf16.f32 v3  }
0x7e: {  	[tilespmem:s0+$0x30] =	vst v4  }
0x7f: {  	v4 =	vunpack.i.l.bf16.f32 v2;
	[tilespmem:s0+$0x20] =	vst v3  }
0x80: {  	v2 =	vunpack.i.u.bf16.f32 v2;
	[tilespmem:s0+$0x0] =	vst v4  }
0x81: {  	v3 =	vunpack.i.u.bf16.f32 v0;
	[tilespmem:s0+$0x10] =	vst v2  }
0x82: {  	v0 =	vunpack.i.l.bf16.f32 v0;
	[tilespmem:s0+$0xFFFFFFF0] =	vst v3  }
0x83: {  	s1 =	sshll.u32 s30, $0x8;
	v2 =	vunpack.i.l.bf16.f32 v1;
	[tilespmem:s0+$0xFFFFFFE0] =	vst v0  }
0x84: {  	s31 =	sand.u32 $0x3FFFFF00, s1;
	v1 =	vunpack.i.u.bf16.f32 v1;
	[tilespmem:s0+$0xFFFFFFC0] =	vst v2  }
0x85: {  	s18 =	sadd.s32 $0x100, s31;
	[tilespmem:s0+$0xFFFFFFD0] =	vst v1  }
0x86: {  	[tilespmem:s15], [sflag:$0x1] =	stream.indirect.gather [hbm4b:s4+s14], $0x20, s18, s14, $0xb8;
	[tilespmem:$0x1A200] =	vst v63  }
0x87: {  	s21 =	sadd.s32 $0x5400, s31  }
0x88: {  	[spmem:s2] =	stream.indirect.scatter.add.f32 [tilespmem:s19], [sflag:$0x3], $0x40, s21, s14, $0xb8;
	[tilespmem:$0x1A200] =	vst v63  }
0x89: {  	_ =	swait.ge [sflag:s20], $0x1000  }
0x8a: {  	[sflag:s20] =	ssyncset.done $0x0  }
0x8b: {  	[sflag:s20] =	ssyncadd.s32 $0xFFFFF000  }
0x8c: {  	_ =	swait.ge [sflag:s25], $0x2000  }
0x8d: {  	[sflag:s25] =	ssyncset.done $0x0  }
0x8e: {  	s18 =	simm.s32 $0x0;
	[sflag:s25] =	ssyncadd.s32 $0xFFFFE000  }
0x8f: {  	v3 =	vld [tilespmem:s18+$0xB430];
	_ =	sdelay $0x1  }
0x90: {  	v2 =	vld [tilespmem:s18+$0xB420]  }
0x91: {  	v0 =	vld [tilespmem:s18+$0xB410]  }
0x92: {  	v1 =	vld [tilespmem:s18+$0xB400]  }
0x93: {  	s1 =	simm.s32 $0x100;
	s0 =	simm.s32 $0xE440;
	s18 =	simm.s32 $0xE440;
	v4 =	vunpack.i.u.bf16.f32 v3;
	v3 =	vunpack.i.l.bf16.f32 v3  }
.LBB2_9:
0x94: {  	p0 =	sne.s32 s1, $0x3F00  }
0x95: {  	v5 =	vunpack.i.u.bf16.f32 v2;
	v2 =	vunpack.i.l.bf16.f32 v2;
	[tilespmem:s0+$0x30] =	vst v4;
	s18 =	sadd.s32 $0x80, s18;
	s21 =	smov.u32 s1;
	s1 =	sadd.s32 $0x100, s1  }
0x96: {  	v4 =	vunpack.i.u.bf16.f32 v0;
	[tilespmem:s0+$0x20] =	vst v3  }
0x97: {  	v0 =	vunpack.i.l.bf16.f32 v0;
	v3 =	vunpack.i.u.bf16.f32 v1;
	v1 =	vunpack.i.l.bf16.f32 v1;
	[tilespmem:s0+$0x0] =	vst v2  }
0x98: {  	[tilespmem:s0+$0x10] =	vst v5  }
0x99: {  	[tilespmem:s0+$0xFFFFFFF0] =	vst v4  }
0x9a: {  	[tilespmem:s0+$0xFFFFFFC0] =	vst v1  }
0x9b: {  	[tilespmem:s0+$0xFFFFFFE0] =	vst v0  }
0x9c: {  	s21 =	sshra.s32 s21, $0x2;
	[tilespmem:s0+$0xFFFFFFD0] =	vst v3;
	s0 =	smov.u32 s18  }
0x9d: {  	v3 =	vld [tilespmem:s21+$0xB430]  }
.Ltmp3:
0x9e: {  	v2 =	vld [tilespmem:s21+$0xB420];
	(pc) =	sbr.rel @p0 .LBB2_9-.Ltmp3, $3  }
0x9f: {  	v0 =	vld [tilespmem:s21+$0xB410]  }
0xa0: {  	v1 =	vld [tilespmem:s21+$0xB400];
	_ =	sdelay $0x1  }
0xa1: {  	v4 =	vunpack.i.u.bf16.f32 v3;
	v3 =	vunpack.i.l.bf16.f32 v3  }
0xa2: {  	[tilespmem:s0+$0x30] =	vst v4  }
0xa3: {  	v58 =	vunpack.i.l.bf16.f32 v2;
	[tilespmem:s0+$0x20] =	vst v3  }
0xa4: {  	v59 =	vunpack.i.u.bf16.f32 v2;
	[tilespmem:s0+$0x0] =	vst v58  }
0xa5: {  	v60 =	vunpack.i.u.bf16.f32 v0;
	[tilespmem:s0+$0x10] =	vst v59  }
0xa6: {  	s30 =	sadd.s32 $0x1, s30;
	v62 =	vunpack.i.l.bf16.f32 v0;
	[tilespmem:s0+$0xFFFFFFF0] =	vst v60  }
0xa7: {  	p0 =	sne.s32 s30, $0x50;
	v61 =	vunpack.i.l.bf16.f32 v1;
	[tilespmem:s0+$0xFFFFFFE0] =	vst v62  }
.Ltmp4:
0xa8: {  	v63 =	vunpack.i.u.bf16.f32 v1;
	[tilespmem:s0+$0xFFFFFFC0] =	vst v61;
	(pc) =	sbr.rel @p0 .LBB2_6-.Ltmp4, $4  }
0xa9: {  	s21 =	sadd.s32 $0x180, s31;
	[tilespmem:s0+$0xFFFFFFD0] =	vst v63  }
0xaa: {  	[tilespmem:s16], [sflag:$0x2] =	stream.indirect.gather [hbm4b:s4+s14], $0x20, s21, s14, $0xb8;
	[tilespmem:$0x1A200] =	vst v63  }
0xab: {  	s31 =	sadd.s32 $0x5480, s31  }
0xac: {  	[spmem:s2] =	stream.indirect.scatter.add.f32 [tilespmem:s23], [sflag:$0x4], $0x40, s31, s14, $0xb8;
	[tilespmem:$0x1A200] =	vst v63  }
0xad: {  	_ =	swait.ge [sflag:s24], $0x2000  }
0xae: {  	[sflag:s24] =	ssyncset.done $0x0  }
0xaf: {  	[sflag:s24] =	ssyncadd.s32 $0xFFFFE000  }
0xb0: {  	_ =	swait.ge [sflag:s17], $0x1000  }
0xb1: {  	[sflag:s17] =	ssyncset.done $0x0  }
0xb2: {  	[sflag:s17] =	ssyncadd.s32 $0xFFFFF000  }
0xb3: {  	_ =	swait.ge [sflag:s25], $0x2000  }
0xb4: {  	[sflag:s25] =	ssyncset.done $0x0  }
0xb5: {  	[sflag:s25] =	ssyncadd.s32 $0xFFFFE000  }
0xb6: {  	_ =	swait.ge [sflag:s20], $0x1000  }
0xb7: {  	s29 =	sadd.s32 $0x1, s29;
	[sflag:s20] =	ssyncset.done $0x0  }
0xb8: {  	p0 =	sne.s32 s29, s10;
	[sflag:s20] =	ssyncadd.s32 $0xFFFFF000  }
.Ltmp5:
0xb9: {  	[bflag:$0x0] =	sbarrier.arrive $0xFFFF;
	(pc) =	sbr.rel @p0 .LBB2_1-.Ltmp5, $4  }
0xba: {  	[hbm:s9@s26], [sflag:s6] =	dma.strided [spmem:s11@s28], $0x13C0, s17, $0x8   }
0xbb: {  	_ =	swait.ge [sflag:s12], $0x13C0  }
0xbc: {  	[sflag:s12] =	ssyncset.done $0x0  }
0xbd: {  	[sflag:s12] =	ssyncadd.s32 $0xFFFFEC40  }
0xbe: {  	_ =	sfence.sel $0x180000  }
0xbf: {  	[bflag:$0x0] =	sbarrier.arrive $0xFFFF  }
0xc0: {  	_ =	strace $0x90000047  }
0xc1: {  	s0 =	stileid.u32;
	[bflag:$0x2] =	sbarrier.arrive $0xFFFF  }
0xc2: {  	p0 =	sne.s32 s0, $0x0;
	s0 =	rddreg [dreg:$0x3]  }
0xc3: {  	s0 =	sadd.s32 @!p0 $0x100000, s0  }
0xc4: {  	[sflag:s0] =	ssyncadd.tile.s32 @!p0 $0x1;
	_ =	shalt  }
.Lfunc_end2:
_tile_overlayer_lowered:
.L_overlay_start_2:
0xc5: {  	(tag) =	ssettag $0x2  }
0xc6: {  	s0 =	rddreg [dreg:$0x0];
	s2 =	stileid.u32  }
0xc7: {  	s1 =	rddreg [dreg:$0x1];
	p0 =	sne.s32 s2, $0x0  }
0xc8: {  	s3 =	rddreg [dreg:$0x2];
	[bflag:$0x3] =	sbarrier.arrive $0xFFFF;
	s2 =	simm.s32 @!p0 $0x1C05  }
0xc9: {  	[timem:s3], [sflag:s2] =	dma.local @!p0 [hbm:s0], s1  }
0xca: {  	s0 =	simm.s32 @!p0 $0x5  }
0xcb: {  	_ =	swait.ge @!p0 [sflag:s0], s1  }
0xcc: {  	s1 =	ssub.s32 @!p0 $0x0, s1;
	[sflag:s0] =	ssyncset.done @!p0 $0x0  }
0xcd: {  	[sflag:s0] =	ssyncadd.s32 @!p0 s1  }
0xce: {  	[bflag:$0x3] =	sbarrier.arrive $0xFFFF  }
0xcf: {  	_ =	shalt  }

</sc_bundles>
